<compile_context>
chip_gen: v7x
topology: tpu7x:2x2x1
jax: 0.10.2.dev20260603
libtpu: 0.0.44.dev20260713+nightly
codegen_flags: <defaults>
</compile_context>

<pallas_src>
import functools

import jax
import jax.numpy as jnp
from jax import lax
from jax.experimental import pallas as pl
from jax.experimental.pallas import tpu as pltpu
from jax.experimental.pallas import tpu_sc as plsc

N = 10000
E = 320000
F_IN = 128
H1 = 64
H2 = 128
C = 10
G = 64

NP = 10240
BLK = 640
GRID = NP // BLK
NW = 32
KCH = 128
KI = 80
EP = NW * KI * KCH
ROWS_PER_TILE = NP // 16



def _sc_mesh():
    return plsc.VectorSubcoreMesh(core_axis_name="c", subcore_axis_name="s")


def _make_deg_kernel():
    @functools.partial(
        pl.kernel,
        out_type=jax.ShapeDtypeStruct((2, NP, 16), jnp.float32),
        mesh=_sc_mesh(),
        scratch_types=[
            pltpu.VMEM((KI, KCH), jnp.int32),
            pltpu.VMEM((KCH, 16), jnp.float32),
            pltpu.VMEM_SHARED((NP, 16), jnp.float32),
            pltpu.SemaphoreType.DMA,
        ],
        compiler_params=pltpu.CompilerParams(use_tc_tiling_on_sc=False),
    )
    def deg_kernel(dst_hbm, ones_hbm, zeros_hbm, out_hbm, dstv, onesv, acc,
                   sem):
        cid = lax.axis_index("c")
        sid = lax.axis_index("s")
        wid = cid * 16 + sid
        pltpu.sync_copy(dst_hbm.at[wid], dstv)
        pltpu.sync_copy(ones_hbm, onesv)
        rs = sid * ROWS_PER_TILE
        pltpu.sync_copy(zeros_hbm.at[pl.ds(rs, ROWS_PER_TILE)],
                        acc.at[pl.ds(rs, ROWS_PER_TILE)])
        plsc.subcore_barrier()

        def body(j, carry):
            for u in range(4):
                pltpu.async_copy(onesv, acc.at[dstv.at[4 * j + u]], sem,
                                 add=True)
            for u in range(4):
                pltpu.make_async_copy(onesv, acc.at[dstv.at[4 * j + u]],
                                      sem).wait()
            return carry

        lax.fori_loop(0, KI // 4, body, 0)
        plsc.subcore_barrier()
        pltpu.sync_copy(acc.at[pl.ds(rs, ROWS_PER_TILE)],
                        out_hbm.at[cid, pl.ds(rs, ROWS_PER_TILE)])

    return deg_kernel


def _make_agg_kernel(h, kch):
    ki = (EP // NW) // kch

    @functools.partial(
        pl.kernel,
        out_type=jax.ShapeDtypeStruct((2, NP, h), jnp.float32),
        mesh=_sc_mesh(),
        scratch_types=(
            [pltpu.VMEM((ki, kch), jnp.int32),
             pltpu.VMEM((ki, kch), jnp.int32)]
            + [pltpu.VMEM((kch, h), jnp.float32) for _ in range(2)]
            + [pltpu.VMEM_SHARED((NP, h), jnp.float32)]
            + [pltpu.SemaphoreType.DMA for _ in range(2)]
        ),
        compiler_params=pltpu.CompilerParams(use_tc_tiling_on_sc=False),
    )
    def agg_kernel(y_hbm, src_hbm, dst_hbm, zeros_hbm, out_hbm,
                   srcv, dstv, rows0, rows1, acc, gsem0, gsem1):
        rows = (rows0, rows1)
        gsem = (gsem0, gsem1)
        cid = lax.axis_index("c")
        sid = lax.axis_index("s")
        wid = cid * 16 + sid
        pltpu.sync_copy(src_hbm.at[wid], srcv)
        pltpu.sync_copy(dst_hbm.at[wid], dstv)
        rs = sid * ROWS_PER_TILE
        pltpu.sync_copy(zeros_hbm.at[pl.ds(rs, ROWS_PER_TILE)],
                        acc.at[pl.ds(rs, ROWS_PER_TILE)])
        plsc.subcore_barrier()

        for p in range(2):
            pltpu.async_copy(y_hbm.at[srcv.at[p]], rows[p], gsem[p])

        def rnd2(r2, carry):
            for p in (0, 1):
                k = 2 * r2 + p
                pltpu.make_async_copy(y_hbm.at[srcv.at[k]],
                                      rows[p], gsem[p]).wait()
                pltpu.sync_copy(rows[p], acc.at[dstv.at[k]], add=True)

                @pl.when(k + 2 < ki)
                def _(p=p, k=k):
                    pltpu.async_copy(y_hbm.at[srcv.at[k + 2]],
                                     rows[p], gsem[p])
            return carry

        lax.fori_loop(0, ki // 2, rnd2, 0)
        plsc.subcore_barrier()
        pltpu.sync_copy(acc.at[pl.ds(rs, ROWS_PER_TILE)],
                        out_hbm.at[cid, pl.ds(rs, ROWS_PER_TILE)])

    return agg_kernel



def _row_mask(rows, cols):
    gid = lax.broadcasted_iota(jnp.int32, (rows, cols), 0)
    return (gid < N).astype(jnp.float32)


def _tc1_body(x_ref, d0_ref, d1_ref, w_ref, y_ref, dis_ref):
    deg = d0_ref[:, 0:1] + d1_ref[:, 0:1] + 1.0
    dis = lax.rsqrt(deg)
    xw = jnp.dot(x_ref[...], w_ref[...], preferred_element_type=jnp.float32)
    y_ref[...] = xw * dis
    dis_ref[...] = jnp.broadcast_to(dis, (NP, 16))


def _tc1(x_pad, deg0, deg1, W1):
    return pl.pallas_call(
        _tc1_body,
        out_shape=[
            jax.ShapeDtypeStruct((NP, H1), jnp.float32),
            jax.ShapeDtypeStruct((NP, 16), jnp.float32),
        ],
    )(x_pad, deg0, deg1, W1)


def _layer_body(h, hn, a0_ref, a1_ref, y_ref, dis_ref, b_ref, g_ref, be_ref,
                w_ref, yn_ref):
    z = (a0_ref[...] + a1_ref[...] + y_ref[...]) * dis_ref[:, 0:1] + b_ref[...]
    zm = z * _row_mask(NP, h)
    mu = jnp.sum(zm, axis=0, keepdims=True) / float(N)
    var = jnp.sum(zm * zm, axis=0, keepdims=True) / float(N) - mu * mu
    hh = (z - mu) * lax.rsqrt(var + 1e-5) * g_ref[...] + be_ref[...]
    hh = jnp.maximum(hh, 0.0)
    yn = jnp.dot(hh, w_ref[...], preferred_element_type=jnp.float32)
    yn_ref[...] = yn * dis_ref[:, 0:1] * _row_mask(NP, hn)


def _layer(h, hn, a0, a1, y, dis, b, g, be, w):
    return pl.pallas_call(
        functools.partial(_layer_body, h, hn),
        out_shape=jax.ShapeDtypeStruct((NP, hn), jnp.float32),
    )(a0, a1, y, dis, b, g, be, w)


def _final_body(a0_ref, a1_ref, y_ref, dis_ref, b_ref, batch_ref, logp_ref):
    z = (a0_ref[...] + a1_ref[...] + y_ref[...]) * dis_ref[:, 0:1] + b_ref[...]
    mask = _row_mask(NP, 16)
    colid = lax.broadcasted_iota(jnp.int32, (NP, 16), 1)
    zaug = (z + (colid == 15).astype(jnp.float32)) * mask
    gid = lax.broadcasted_iota(jnp.int32, (G, NP), 0)
    oh = (gid == batch_ref[...].reshape(1, NP)).astype(jnp.float32)
    pooled = jnp.dot(oh, zaug, preferred_element_type=jnp.float32)
    cnt = jnp.maximum(pooled[:, 15:16], 1.0)
    mean = pooled / cnt
    cid2 = lax.broadcasted_iota(jnp.int32, (G, 16), 1)
    meff = jnp.where(cid2 < C, mean, -jnp.inf)
    mx = jnp.max(meff, axis=1, keepdims=True)
    ls = jnp.log(jnp.sum(jnp.exp(meff - mx), axis=1, keepdims=True))
    logp_ref[...] = meff - mx - ls


def _final(a0, a1, y, dis, b, batch2d):
    return pl.pallas_call(
        _final_body,
        out_shape=jax.ShapeDtypeStruct((G, 16), jnp.float32),
    )(a0, a1, y, dis, b, batch2d)



def kernel(x, edge_index, batch, W1, b1, g1, be1, W2, b2, g2, be2, W3, b3):
    f32 = jnp.float32
    x_pad = jnp.pad(x, ((0, NP - N), (0, 0)))
    src = jnp.pad(edge_index[0], (0, EP - E), constant_values=N)
    dst = jnp.pad(edge_index[1], (0, EP - E), constant_values=N)
    src3 = src.reshape(NW, KI, KCH)
    dst3 = dst.reshape(NW, KI, KCH)
    src3n = src.reshape(NW, 128, 80)
    dst3n = dst.reshape(NW, 128, 80)
    batch2d = jnp.pad(batch, (0, NP - N), constant_values=G).reshape(1, NP)
    W3p = jnp.pad(W3, ((0, 0), (0, 16 - C)))
    b3p = jnp.pad(b3, (0, 16 - C)).reshape(1, 16)
    ones16 = jnp.ones((KCH, 16), f32)
    z16 = jnp.zeros((NP, 16), f32)
    z64 = jnp.zeros((NP, H1), f32)
    z128 = jnp.zeros((NP, H2), f32)
    b1r = b1.reshape(1, H1)
    g1r = g1.reshape(1, H1)
    be1r = be1.reshape(1, H1)
    b2r = b2.reshape(1, H2)
    g2r = g2.reshape(1, H2)
    be2r = be2.reshape(1, H2)

    degp = _make_deg_kernel()(dst3, ones16, z16)
    deg0, deg1 = degp[0], degp[1]

    y1, dis = _tc1(x_pad, deg0, deg1, W1)

    ag = _make_agg_kernel(H1, KCH)(y1, src3, dst3, z64)
    y2 = _layer(H1, H2, ag[0], ag[1], y1, dis, b1r, g1r, be1r, W2)

    ag = _make_agg_kernel(H2, 80)(y2, src3n, dst3n, z128)
    y3 = _layer(H2, 16, ag[0], ag[1], y2, dis, b2r, g2r, be2r, W3p)

    ag = _make_agg_kernel(16, KCH)(y3, src3, dst3, z16)
    logp = _final(ag[0], ag[1], y3, dis, b3p, batch2d)
    return logp[:, :C]

# --- scband reference (transcript-rebuilt; emitter-appended) ---
"""Pipeline reference for scband-gcn-7481833030015 (READ-ONLY COPY).

The authoritative reference and input builder live on the scoring server;
editing this copy changes nothing except your own understanding.
"""

import jax, jax.numpy as jnp
import numpy as np

N = 10000
E = 320000
F_IN = 128
H1 = 64
H2 = 128
C = 10
G = 64


def setup_inputs(seed: int = 0) -> dict:
    key = jax.random.key(seed)
    ks = jax.random.split(key, 8)
    x = jax.random.normal(ks[0], (N, F_IN), dtype=jnp.float32)
    edge_index = jax.random.randint(ks[1], (2, E), 0, N, dtype=jnp.int32)
    batch = jnp.sort(jax.random.randint(ks[2], (N,), 0, G, dtype=jnp.int32))
    W1 = jax.random.normal(ks[3], (F_IN, H1), dtype=jnp.float32) * (1.0 / np.sqrt(F_IN))
    b1 = jnp.zeros((H1,), dtype=jnp.float32)
    g1 = jnp.ones((H1,), dtype=jnp.float32)
    be1 = jnp.zeros((H1,), dtype=jnp.float32)
    W2 = jax.random.normal(ks[4], (H1, H2), dtype=jnp.float32) * (1.0 / np.sqrt(H1))
    b2 = jnp.zeros((H2,), dtype=jnp.float32)
    g2 = jnp.ones((H2,), dtype=jnp.float32)
    be2 = jnp.zeros((H2,), dtype=jnp.float32)
    W3 = jax.random.normal(ks[5], (H2, C), dtype=jnp.float32) * (1.0 / np.sqrt(H2))
    b3 = jnp.zeros((C,), dtype=jnp.float32)
    return {"x": x, "edge_index": edge_index, "batch": batch,
            "W1": W1, "b1": b1, "g1": g1, "be1": be1,
            "W2": W2, "b2": b2, "g2": g2, "be2": be2,
            "W3": W3, "b3": b3}


def _gcn_conv(x, src, dst, W, b, num_nodes):
    # GCNConv: D^{-1/2} (A + I) D^{-1/2} X W + b
    loop = jnp.arange(num_nodes, dtype=src.dtype)
    s = jnp.concatenate([src, loop])
    d = jnp.concatenate([dst, loop])
    deg = jnp.zeros((num_nodes,), dtype=x.dtype).at[d].add(1.0)
    dis = jax.lax.rsqrt(jnp.maximum(deg, 1e-12))
    norm = dis[s] * dis[d]
    xw = x @ W
    msg = xw[s] * norm[:, None]
    out = jnp.zeros((num_nodes, W.shape[1]), dtype=x.dtype).at[d].add(msg)
    return out + b


def _bn(x, gamma, beta, eps=1e-5):
    # BatchNorm1d in training mode: batch statistics, biased variance
    mu = jnp.mean(x, axis=0)
    var = jnp.var(x, axis=0)
    return (x - mu) * jax.lax.rsqrt(var + eps) * gamma + beta


def reference(x, edge_index, batch, W1, b1, g1, be1, W2, b2, g2, be2, W3, b3):
    src = edge_index[0]
    dst = edge_index[1]
    h = jax.nn.relu(_bn(_gcn_conv(x, src, dst, W1, b1, N), g1, be1))
    # dropout treated as identity (deterministic reference)
    h = jax.nn.relu(_bn(_gcn_conv(h, src, dst, W2, b2, N), g2, be2))
    h = _gcn_conv(h, src, dst, W3, b3, N)
    sums = jax.ops.segment_sum(h, batch, num_segments=G)
    counts = jax.ops.segment_sum(jnp.ones((N,), dtype=h.dtype), batch, num_segments=G)
    pooled = sums / jnp.maximum(counts, 1.0)[:, None]
    return jax.nn.log_softmax(pooled, axis=1)

if __name__ == "__main__":
    import jax
    _d = setup_inputs()
    print(jax.jit(kernel)(*tuple(_d.values())))

</pallas_src>

<mosaic_0001>
#map = affine_map<(d0, d1) -> (0, 0, 0)>
#map1 = affine_map<(d0, d1) -> (0, 0)>
module attributes {stable_mosaic.version = 14 : i64} {
  func.func @deg_kernel(%arg0: i32, %arg1: i32, %arg2: memref<32x80x128xi32, #tpu.memory_space<hbm>>, %arg3: memref<128x16xf32, #tpu.memory_space<hbm>>, %arg4: memref<10240x16xf32, #tpu.memory_space<hbm>>, %arg5: memref<2x10240x16xf32, #tpu.memory_space<hbm>>, %arg6: memref<80x128xi32, #tpu.memory_space<vmem>>, %arg7: memref<128x16xf32, #tpu.memory_space<vmem>>, %arg8: memref<10240x16xf32, #tpu.memory_space<vmem_shared>>, %arg9: memref<!tpu.dma_semaphore, #tpu.memory_space<semaphore_mem>>) attributes {dimension_semantics = [#tpu.dimension_semantics<core_parallel>, #tpu.dimension_semantics<subcore_parallel>], iteration_bounds = array<i64: 2, 16>, scalar_prefetch = 0 : i64, scratch_operands = 4 : i64, tpu.core_type = #tpu.core_type<sc_vector_subcore>, window_params = [{transform_indices = #map}, {transform_indices = #map1}, {transform_indices = #map1}, {transform_indices = #map}]} {
    %mul3A = arith.constant 16 : i32
    %mul3A_0 = arith.muli %arg0, %mul3A : i32
    %add3A = arith.addi %mul3A_0, %arg1 : i32
    "tpu.region"() ({
      %run_scoped3A = tpu.sem_alloc : memref<!tpu.dma_semaphore, #tpu.memory_space<semaphore_mem>>
      %dma_start3A = arith.constant 0 : i32
      %dma_start3A_9 = arith.constant 0 : i32
      %dma_start3A_10 = tpu.memref_slice %arg2[%add3A, %dma_start3A, %dma_start3A_9] : memref<32x80x128xi32, #tpu.memory_space<hbm>> -> memref<1x80x128xi32, #tpu.memory_space<hbm>>
      %dma_start3A_11 = tpu.memref_squeeze %dma_start3A_10 : memref<1x80x128xi32, #tpu.memory_space<hbm>> -> memref<80x128xi32, #tpu.memory_space<hbm>>
      %dma_start3A_12 = arith.constant 0 : i32
      %dma_start3A_13 = arith.constant 0 : i32
      %dma_start3A_14 = tpu.memref_slice %arg2[%add3A, %dma_start3A_12, %dma_start3A_13] : memref<32x80x128xi32, #tpu.memory_space<hbm>> -> memref<1x80x128xi32, #tpu.memory_space<hbm>>
      %dma_start3A_15 = tpu.memref_squeeze %dma_start3A_14 : memref<1x80x128xi32, #tpu.memory_space<hbm>> -> memref<80x128xi32, #tpu.memory_space<hbm>>
      tpu.enqueue_dma source(%dma_start3A_15 : memref<80x128xi32, #tpu.memory_space<hbm>>) target(%arg6 : memref<80x128xi32, #tpu.memory_space<vmem>>) target_semaphore(%run_scoped3A : memref<!tpu.dma_semaphore, #tpu.memory_space<semaphore_mem>>)
      %dma_wait3A = arith.constant 0 : i32
      %dma_wait3A_16 = arith.constant 0 : i32
      %dma_wait3A_17 = tpu.memref_slice %arg2[%add3A, %dma_wait3A, %dma_wait3A_16] : memref<32x80x128xi32, #tpu.memory_space<hbm>> -> memref<1x80x128xi32, #tpu.memory_space<hbm>>
      %dma_wait3A_18 = tpu.memref_squeeze %dma_wait3A_17 : memref<1x80x128xi32, #tpu.memory_space<hbm>> -> memref<80x128xi32, #tpu.memory_space<hbm>>
      %dma_wait3A_19 = arith.constant 0 : i32
      %dma_wait3A_20 = arith.constant 0 : i32
      %dma_wait3A_21 = tpu.memref_slice %arg2[%add3A, %dma_wait3A_19, %dma_wait3A_20] : memref<32x80x128xi32, #tpu.memory_space<hbm>> -> memref<1x80x128xi32, #tpu.memory_space<hbm>>
      %dma_wait3A_22 = tpu.memref_squeeze %dma_wait3A_21 : memref<1x80x128xi32, #tpu.memory_space<hbm>> -> memref<80x128xi32, #tpu.memory_space<hbm>>
      tpu.wait_dma2 semaphore(%run_scoped3A : memref<!tpu.dma_semaphore, #tpu.memory_space<semaphore_mem>>) src(%dma_wait3A_22 : memref<80x128xi32, #tpu.memory_space<hbm>>) dst(%arg6 : memref<80x128xi32, #tpu.memory_space<vmem>>)
      tpu.yield
    }) : () -> ()
    "tpu.region"() ({
      %run_scoped3A = tpu.sem_alloc : memref<!tpu.dma_semaphore, #tpu.memory_space<semaphore_mem>>
      tpu.enqueue_dma source(%arg3 : memref<128x16xf32, #tpu.memory_space<hbm>>) target(%arg7 : memref<128x16xf32, #tpu.memory_space<vmem>>) target_semaphore(%run_scoped3A : memref<!tpu.dma_semaphore, #tpu.memory_space<semaphore_mem>>)
      tpu.wait_dma2 semaphore(%run_scoped3A : memref<!tpu.dma_semaphore, #tpu.memory_space<semaphore_mem>>) src(%arg3 : memref<128x16xf32, #tpu.memory_space<hbm>>) dst(%arg7 : memref<128x16xf32, #tpu.memory_space<vmem>>)
      tpu.yield
    }) : () -> ()
    %mul3A_1 = arith.constant 640 : i32
    %mul3A_2 = arith.muli %arg1, %mul3A_1 : i32
    "tpu.region"() ({
      %run_scoped3A = tpu.sem_alloc : memref<!tpu.dma_semaphore, #tpu.memory_space<semaphore_mem>>
      %dma_start3A = arith.constant 0 : i32
      %dma_start3A_9 = tpu.memref_slice %arg8[%mul3A_2, %dma_start3A] : memref<10240x16xf32, #tpu.memory_space<vmem_shared>> -> memref<640x16xf32, #tpu.memory_space<vmem_shared>>
      %dma_start3A_10 = arith.constant 0 : i32
      %dma_start3A_11 = tpu.memref_slice %arg4[%mul3A_2, %dma_start3A_10] : memref<10240x16xf32, #tpu.memory_space<hbm>> -> memref<640x16xf32, #tpu.memory_space<hbm>>
      tpu.enqueue_dma source(%dma_start3A_11 : memref<640x16xf32, #tpu.memory_space<hbm>>) target(%dma_start3A_9 : memref<640x16xf32, #tpu.memory_space<vmem_shared>>) target_semaphore(%run_scoped3A : memref<!tpu.dma_semaphore, #tpu.memory_space<semaphore_mem>>)
      %dma_wait3A = arith.constant 0 : i32
      %dma_wait3A_12 = tpu.memref_slice %arg8[%mul3A_2, %dma_wait3A] : memref<10240x16xf32, #tpu.memory_space<vmem_shared>> -> memref<640x16xf32, #tpu.memory_space<vmem_shared>>
      %dma_wait3A_13 = arith.constant 0 : i32
      %dma_wait3A_14 = tpu.memref_slice %arg4[%mul3A_2, %dma_wait3A_13] : memref<10240x16xf32, #tpu.memory_space<hbm>> -> memref<640x16xf32, #tpu.memory_space<hbm>>
      tpu.wait_dma2 semaphore(%run_scoped3A : memref<!tpu.dma_semaphore, #tpu.memory_space<semaphore_mem>>) src(%dma_wait3A_14 : memref<640x16xf32, #tpu.memory_space<hbm>>) dst(%dma_wait3A_12 : memref<640x16xf32, #tpu.memory_space<vmem_shared>>)
      tpu.yield
    }) : () -> ()
    %barrier3A = arith.constant 0 : index
    tpu.barrier barrier_id(%barrier3A)
    %scan3A = arith.constant 0 : i32
    %scan3A_3 = arith.constant 0 : i32
    %scan3A_4 = arith.constant 20 : i32
    %scan3A_5 = arith.addi %scan3A_3, %scan3A_4 : i32
    %scan3A_6 = arith.constant 1 : i32
    scf.for %scan3A_9 = %scan3A_3 to %scan3A_5 step %scan3A_6  : i32 {
      %mul3A_10 = arith.constant 4 : i32
      %mul3A_11 = arith.muli %mul3A_10, %scan3A_9 : i32
      %add3A_12 = arith.constant 0 : i32
      %add3A_13 = arith.addi %mul3A_11, %add3A_12 : i32
      %dma_start3A = arith.constant 0 : i32
      %dma_start3A_14 = tpu.memref_slice %arg6[%add3A_13, %dma_start3A] : memref<80x128xi32, #tpu.memory_space<vmem>> -> memref<1x128xi32, #tpu.memory_space<vmem>>
      %dma_start3A_15 = tpu.memref_squeeze %dma_start3A_14 : memref<1x128xi32, #tpu.memory_space<vmem>> -> memref<128xi32, #tpu.memory_space<vmem>>
      %dma_start3A_16 = arith.constant 0 : i32
      %dma_start3A_17 = arith.constant 0 : i32
      %dma_start3A_18 = tpu.memref_slice %arg8[%dma_start3A_16, %dma_start3A_17] : memref<10240x16xf32, #tpu.memory_space<vmem_shared>> -> memref<10240x16xf32, #tpu.memory_space<vmem_shared>>
      tpu.enqueue_indirect_dma source(%arg7 : memref<128x16xf32, #tpu.memory_space<vmem>>) target(%dma_start3A_18 : memref<10240x16xf32, #tpu.memory_space<vmem_shared>>) offsets(%dma_start3A_15 : memref<128xi32, #tpu.memory_space<vmem>>) semaphore(%arg9 : memref<!tpu.dma_semaphore, #tpu.memory_space<semaphore_mem>>) {add = true}
      %mul3A_19 = arith.constant 4 : i32
      %mul3A_20 = arith.muli %mul3A_19, %scan3A_9 : i32
      %add3A_21 = arith.constant 1 : i32
      %add3A_22 = arith.addi %mul3A_20, %add3A_21 : i32
      %dma_start3A_23 = arith.constant 0 : i32
      %dma_start3A_24 = tpu.memref_slice %arg6[%add3A_22, %dma_start3A_23] : memref<80x128xi32, #tpu.memory_space<vmem>> -> memref<1x128xi32, #tpu.memory_space<vmem>>
      %dma_start3A_25 = tpu.memref_squeeze %dma_start3A_24 : memref<1x128xi32, #tpu.memory_space<vmem>> -> memref<128xi32, #tpu.memory_space<vmem>>
      %dma_start3A_26 = arith.constant 0 : i32
      %dma_start3A_27 = arith.constant 0 : i32
      %dma_start3A_28 = tpu.memref_slice %arg8[%dma_start3A_26, %dma_start3A_27] : memref<10240x16xf32, #tpu.memory_space<vmem_shared>> -> memref<10240x16xf32, #tpu.memory_space<vmem_shared>>
      tpu.enqueue_indirect_dma source(%arg7 : memref<128x16xf32, #tpu.memory_space<vmem>>) target(%dma_start3A_28 : memref<10240x16xf32, #tpu.memory_space<vmem_shared>>) offsets(%dma_start3A_25 : memref<128xi32, #tpu.memory_space<vmem>>) semaphore(%arg9 : memref<!tpu.dma_semaphore, #tpu.memory_space<semaphore_mem>>) {add = true}
      %mul3A_29 = arith.constant 4 : i32
      %mul3A_30 = arith.muli %mul3A_29, %scan3A_9 : i32
      %add3A_31 = arith.constant 2 : i32
      %add3A_32 = arith.addi %mul3A_30, %add3A_31 : i32
      %dma_start3A_33 = arith.constant 0 : i32
      %dma_start3A_34 = tpu.memref_slice %arg6[%add3A_32, %dma_start3A_33] : memref<80x128xi32, #tpu.memory_space<vmem>> -> memref<1x128xi32, #tpu.memory_space<vmem>>
      %dma_start3A_35 = tpu.memref_squeeze %dma_start3A_34 : memref<1x128xi32, #tpu.memory_space<vmem>> -> memref<128xi32, #tpu.memory_space<vmem>>
      %dma_start3A_36 = arith.constant 0 : i32
      %dma_start3A_37 = arith.constant 0 : i32
      %dma_start3A_38 = tpu.memref_slice %arg8[%dma_start3A_36, %dma_start3A_37] : memref<10240x16xf32, #tpu.memory_space<vmem_shared>> -> memref<10240x16xf32, #tpu.memory_space<vmem_shared>>
      tpu.enqueue_indirect_dma source(%arg7 : memref<128x16xf32, #tpu.memory_space<vmem>>) target(%dma_start3A_38 : memref<10240x16xf32, #tpu.memory_space<vmem_shared>>) offsets(%dma_start3A_35 : memref<128xi32, #tpu.memory_space<vmem>>) semaphore(%arg9 : memref<!tpu.dma_semaphore, #tpu.memory_space<semaphore_mem>>) {add = true}
      %mul3A_39 = arith.constant 4 : i32
      %mul3A_40 = arith.muli %mul3A_39, %scan3A_9 : i32
      %add3A_41 = arith.constant 3 : i32
      %add3A_42 = arith.addi %mul3A_40, %add3A_41 : i32
      %dma_start3A_43 = arith.constant 0 : i32
      %dma_start3A_44 = tpu.memref_slice %arg6[%add3A_42, %dma_start3A_43] : memref<80x128xi32, #tpu.memory_space<vmem>> -> memref<1x128xi32, #tpu.memory_space<vmem>>
      %dma_start3A_45 = tpu.memref_squeeze %dma_start3A_44 : memref<1x128xi32, #tpu.memory_space<vmem>> -> memref<128xi32, #tpu.memory_space<vmem>>
      %dma_start3A_46 = arith.constant 0 : i32
      %dma_start3A_47 = arith.constant 0 : i32
      %dma_start3A_48 = tpu.memref_slice %arg8[%dma_start3A_46, %dma_start3A_47] : memref<10240x16xf32, #tpu.memory_space<vmem_shared>> -> memref<10240x16xf32, #tpu.memory_space<vmem_shared>>
      tpu.enqueue_indirect_dma source(%arg7 : memref<128x16xf32, #tpu.memory_space<vmem>>) target(%dma_start3A_48 : memref<10240x16xf32, #tpu.memory_space<vmem_shared>>) offsets(%dma_start3A_45 : memref<128xi32, #tpu.memory_space<vmem>>) semaphore(%arg9 : memref<!tpu.dma_semaphore, #tpu.memory_space<semaphore_mem>>) {add = true}
      %mul3A_49 = arith.constant 4 : i32
      %mul3A_50 = arith.muli %mul3A_49, %scan3A_9 : i32
      %add3A_51 = arith.constant 0 : i32
      %add3A_52 = arith.addi %mul3A_50, %add3A_51 : i32
      %dma_wait3A = arith.constant 0 : i32
      %dma_wait3A_53 = tpu.memref_slice %arg6[%add3A_52, %dma_wait3A] : memref<80x128xi32, #tpu.memory_space<vmem>> -> memref<1x128xi32, #tpu.memory_space<vmem>>
      %dma_wait3A_54 = tpu.memref_squeeze %dma_wait3A_53 : memref<1x128xi32, #tpu.memory_space<vmem>> -> memref<128xi32, #tpu.memory_space<vmem>>
      %dma_wait3A_55 = arith.constant 0 : i32
      %dma_wait3A_56 = arith.constant 0 : i32
      %dma_wait3A_57 = tpu.memref_slice %arg8[%dma_wait3A_55, %dma_wait3A_56] : memref<10240x16xf32, #tpu.memory_space<vmem_shared>> -> memref<10240x16xf32, #tpu.memory_space<vmem_shared>>
      tpu.wait_indirect_dma semaphore(%arg9 : memref<!tpu.dma_semaphore, #tpu.memory_space<semaphore_mem>>) src(%arg7 : memref<128x16xf32, #tpu.memory_space<vmem>>) dst(%dma_wait3A_57 : memref<10240x16xf32, #tpu.memory_space<vmem_shared>>)
      %mul3A_58 = arith.constant 4 : i32
      %mul3A_59 = arith.muli %mul3A_58, %scan3A_9 : i32
      %add3A_60 = arith.constant 1 : i32
      %add3A_61 = arith.addi %mul3A_59, %add3A_60 : i32
      %dma_wait3A_62 = arith.constant 0 : i32
      %dma_wait3A_63 = tpu.memref_slice %arg6[%add3A_61, %dma_wait3A_62] : memref<80x128xi32, #tpu.memory_space<vmem>> -> memref<1x128xi32, #tpu.memory_space<vmem>>
      %dma_wait3A_64 = tpu.memref_squeeze %dma_wait3A_63 : memref<1x128xi32, #tpu.memory_space<vmem>> -> memref<128xi32, #tpu.memory_space<vmem>>
      %dma_wait3A_65 = arith.constant 0 : i32
      %dma_wait3A_66 = arith.constant 0 : i32
      %dma_wait3A_67 = tpu.memref_slice %arg8[%dma_wait3A_65, %dma_wait3A_66] : memref<10240x16xf32, #tpu.memory_space<vmem_shared>> -> memref<10240x16xf32, #tpu.memory_space<vmem_shared>>
      tpu.wait_indirect_dma semaphore(%arg9 : memref<!tpu.dma_semaphore, #tpu.memory_space<semaphore_mem>>) src(%arg7 : memref<128x16xf32, #tpu.memory_space<vmem>>) dst(%dma_wait3A_67 : memref<10240x16xf32, #tpu.memory_space<vmem_shared>>)
      %mul3A_68 = arith.constant 4 : i32
      %mul3A_69 = arith.muli %mul3A_68, %scan3A_9 : i32
      %add3A_70 = arith.constant 2 : i32
      %add3A_71 = arith.addi %mul3A_69, %add3A_70 : i32
      %dma_wait3A_72 = arith.constant 0 : i32
      %dma_wait3A_73 = tpu.memref_slice %arg6[%add3A_71, %dma_wait3A_72] : memref<80x128xi32, #tpu.memory_space<vmem>> -> memref<1x128xi32, #tpu.memory_space<vmem>>
      %dma_wait3A_74 = tpu.memref_squeeze %dma_wait3A_73 : memref<1x128xi32, #tpu.memory_space<vmem>> -> memref<128xi32, #tpu.memory_space<vmem>>
      %dma_wait3A_75 = arith.constant 0 : i32
      %dma_wait3A_76 = arith.constant 0 : i32
      %dma_wait3A_77 = tpu.memref_slice %arg8[%dma_wait3A_75, %dma_wait3A_76] : memref<10240x16xf32, #tpu.memory_space<vmem_shared>> -> memref<10240x16xf32, #tpu.memory_space<vmem_shared>>
      tpu.wait_indirect_dma semaphore(%arg9 : memref<!tpu.dma_semaphore, #tpu.memory_space<semaphore_mem>>) src(%arg7 : memref<128x16xf32, #tpu.memory_space<vmem>>) dst(%dma_wait3A_77 : memref<10240x16xf32, #tpu.memory_space<vmem_shared>>)
      %mul3A_78 = arith.constant 4 : i32
      %mul3A_79 = arith.muli %mul3A_78, %scan3A_9 : i32
      %add3A_80 = arith.constant 3 : i32
      %add3A_81 = arith.addi %mul3A_79, %add3A_80 : i32
      %dma_wait3A_82 = arith.constant 0 : i32
      %dma_wait3A_83 = tpu.memref_slice %arg6[%add3A_81, %dma_wait3A_82] : memref<80x128xi32, #tpu.memory_space<vmem>> -> memref<1x128xi32, #tpu.memory_space<vmem>>
      %dma_wait3A_84 = tpu.memref_squeeze %dma_wait3A_83 : memref<1x128xi32, #tpu.memory_space<vmem>> -> memref<128xi32, #tpu.memory_space<vmem>>
      %dma_wait3A_85 = arith.constant 0 : i32
      %dma_wait3A_86 = arith.constant 0 : i32
      %dma_wait3A_87 = tpu.memref_slice %arg8[%dma_wait3A_85, %dma_wait3A_86] : memref<10240x16xf32, #tpu.memory_space<vmem_shared>> -> memref<10240x16xf32, #tpu.memory_space<vmem_shared>>
      tpu.wait_indirect_dma semaphore(%arg9 : memref<!tpu.dma_semaphore, #tpu.memory_space<semaphore_mem>>) src(%arg7 : memref<128x16xf32, #tpu.memory_space<vmem>>) dst(%dma_wait3A_87 : memref<10240x16xf32, #tpu.memory_space<vmem_shared>>)
    }
    %scan3A_7 = arith.constant 20 : i32
    %barrier3A_8 = arith.constant 0 : index
    tpu.barrier barrier_id(%barrier3A_8)
    "tpu.region"() ({
      %run_scoped3A = tpu.sem_alloc : memref<!tpu.dma_semaphore, #tpu.memory_space<semaphore_mem>>
      %dma_start3A = arith.constant 0 : i32
      %dma_start3A_9 = tpu.memref_slice %arg5[%arg0, %mul3A_2, %dma_start3A] : memref<2x10240x16xf32, #tpu.memory_space<hbm>> -> memref<1x640x16xf32, #tpu.memory_space<hbm>>
      %dma_start3A_10 = tpu.memref_squeeze %dma_start3A_9 : memref<1x640x16xf32, #tpu.memory_space<hbm>> -> memref<640x16xf32, #tpu.memory_space<hbm>>
      %dma_start3A_11 = arith.constant 0 : i32
      %dma_start3A_12 = tpu.memref_slice %arg8[%mul3A_2, %dma_start3A_11] : memref<10240x16xf32, #tpu.memory_space<vmem_shared>> -> memref<640x16xf32, #tpu.memory_space<vmem_shared>>
      tpu.enqueue_dma source(%dma_start3A_12 : memref<640x16xf32, #tpu.memory_space<vmem_shared>>) target(%dma_start3A_10 : memref<640x16xf32, #tpu.memory_space<hbm>>) target_semaphore(%run_scoped3A : memref<!tpu.dma_semaphore, #tpu.memory_space<semaphore_mem>>)
      %dma_wait3A = arith.constant 0 : i32
      %dma_wait3A_13 = tpu.memref_slice %arg5[%arg0, %mul3A_2, %dma_wait3A] : memref<2x10240x16xf32, #tpu.memory_space<hbm>> -> memref<1x640x16xf32, #tpu.memory_space<hbm>>
      %dma_wait3A_14 = tpu.memref_squeeze %dma_wait3A_13 : memref<1x640x16xf32, #tpu.memory_space<hbm>> -> memref<640x16xf32, #tpu.memory_space<hbm>>
      %dma_wait3A_15 = arith.constant 0 : i32
      %dma_wait3A_16 = tpu.memref_slice %arg8[%mul3A_2, %dma_wait3A_15] : memref<10240x16xf32, #tpu.memory_space<vmem_shared>> -> memref<640x16xf32, #tpu.memory_space<vmem_shared>>
      tpu.wait_dma2 semaphore(%run_scoped3A : memref<!tpu.dma_semaphore, #tpu.memory_space<semaphore_mem>>) src(%dma_wait3A_16 : memref<640x16xf32, #tpu.memory_space<vmem_shared>>) dst(%dma_wait3A_14 : memref<640x16xf32, #tpu.memory_space<hbm>>)
      tpu.yield
    }) : () -> ()
    return
  }
}

#map = affine_map<(d0, d1) -> (0, 0)>
#map1 = affine_map<(d0, d1) -> (0, 0, 0)>
module attributes {stable_mosaic.version = 14 : i64} {
  func.func @agg_kernel(%arg0: i32, %arg1: i32, %arg2: memref<10240x16xf32, #tpu.memory_space<hbm>>, %arg3: memref<32x80x128xi32, #tpu.memory_space<hbm>>, %arg4: memref<32x80x128xi32, #tpu.memory_space<hbm>>, %arg5: memref<10240x16xf32, #tpu.memory_space<hbm>>, %arg6: memref<2x10240x16xf32, #tpu.memory_space<hbm>>, %arg7: memref<80x128xi32, #tpu.memory_space<vmem>>, %arg8: memref<80x128xi32, #tpu.memory_space<vmem>>, %arg9: memref<128x16xf32, #tpu.memory_space<vmem>>, %arg10: memref<128x16xf32, #tpu.memory_space<vmem>>, %arg11: memref<10240x16xf32, #tpu.memory_space<vmem_shared>>, %arg12: memref<!tpu.dma_semaphore, #tpu.memory_space<semaphore_mem>>, %arg13: memref<!tpu.dma_semaphore, #tpu.memory_space<semaphore_mem>>) attributes {dimension_semantics = [#tpu.dimension_semantics<core_parallel>, #tpu.dimension_semantics<subcore_parallel>], iteration_bounds = array<i64: 2, 16>, scalar_prefetch = 0 : i64, scratch_operands = 7 : i64, tpu.core_type = #tpu.core_type<sc_vector_subcore>, window_params = [{transform_indices = #map}, {transform_indices = #map1}, {transform_indices = #map1}, {transform_indices = #map}, {transform_indices = #map1}]} {
    %mul3A = arith.constant 16 : i32
    %mul3A_0 = arith.muli %arg0, %mul3A : i32
    %add3A = arith.addi %mul3A_0, %arg1 : i32
    "tpu.region"() ({
      %run_scoped3A = tpu.sem_alloc : memref<!tpu.dma_semaphore, #tpu.memory_space<semaphore_mem>>
      %dma_start3A_22 = arith.constant 0 : i32
      %dma_start3A_23 = arith.constant 0 : i32
      %dma_start3A_24 = tpu.memref_slice %arg3[%add3A, %dma_start3A_22, %dma_start3A_23] : memref<32x80x128xi32, #tpu.memory_space<hbm>> -> memref<1x80x128xi32, #tpu.memory_space<hbm>>
      %dma_start3A_25 = tpu.memref_squeeze %dma_start3A_24 : memref<1x80x128xi32, #tpu.memory_space<hbm>> -> memref<80x128xi32, #tpu.memory_space<hbm>>
      %dma_start3A_26 = arith.constant 0 : i32
      %dma_start3A_27 = arith.constant 0 : i32
      %dma_start3A_28 = tpu.memref_slice %arg3[%add3A, %dma_start3A_26, %dma_start3A_27] : memref<32x80x128xi32, #tpu.memory_space<hbm>> -> memref<1x80x128xi32, #tpu.memory_space<hbm>>
      %dma_start3A_29 = tpu.memref_squeeze %dma_start3A_28 : memref<1x80x128xi32, #tpu.memory_space<hbm>> -> memref<80x128xi32, #tpu.memory_space<hbm>>
      tpu.enqueue_dma source(%dma_start3A_29 : memref<80x128xi32, #tpu.memory_space<hbm>>) target(%arg7 : memref<80x128xi32, #tpu.memory_space<vmem>>) target_semaphore(%run_scoped3A : memref<!tpu.dma_semaphore, #tpu.memory_space<semaphore_mem>>)
      %dma_wait3A = arith.constant 0 : i32
      %dma_wait3A_30 = arith.constant 0 : i32
      %dma_wait3A_31 = tpu.memref_slice %arg3[%add3A, %dma_wait3A, %dma_wait3A_30] : memref<32x80x128xi32, #tpu.memory_space<hbm>> -> memref<1x80x128xi32, #tpu.memory_space<hbm>>
      %dma_wait3A_32 = tpu.memref_squeeze %dma_wait3A_31 : memref<1x80x128xi32, #tpu.memory_space<hbm>> -> memref<80x128xi32, #tpu.memory_space<hbm>>
      %dma_wait3A_33 = arith.constant 0 : i32
      %dma_wait3A_34 = arith.constant 0 : i32
      %dma_wait3A_35 = tpu.memref_slice %arg3[%add3A, %dma_wait3A_33, %dma_wait3A_34] : memref<32x80x128xi32, #tpu.memory_space<hbm>> -> memref<1x80x128xi32, #tpu.memory_space<hbm>>
      %dma_wait3A_36 = tpu.memref_squeeze %dma_wait3A_35 : memref<1x80x128xi32, #tpu.memory_space<hbm>> -> memref<80x128xi32, #tpu.memory_space<hbm>>
      tpu.wait_dma2 semaphore(%run_scoped3A : memref<!tpu.dma_semaphore, #tpu.memory_space<semaphore_mem>>) src(%dma_wait3A_36 : memref<80x128xi32, #tpu.memory_space<hbm>>) dst(%arg7 : memref<80x128xi32, #tpu.memory_space<vmem>>)
      tpu.yield
    }) : () -> ()
    "tpu.region"() ({
      %run_scoped3A = tpu.sem_alloc : memref<!tpu.dma_semaphore, #tpu.memory_space<semaphore_mem>>
      %dma_start3A_22 = arith.constant 0 : i32
      %dma_start3A_23 = arith.constant 0 : i32
      %dma_start3A_24 = tpu.memref_slice %arg4[%add3A, %dma_start3A_22, %dma_start3A_23] : memref<32x80x128xi32, #tpu.memory_space<hbm>> -> memref<1x80x128xi32, #tpu.memory_space<hbm>>
      %dma_start3A_25 = tpu.memref_squeeze %dma_start3A_24 : memref<1x80x128xi32, #tpu.memory_space<hbm>> -> memref<80x128xi32, #tpu.memory_space<hbm>>
      %dma_start3A_26 = arith.constant 0 : i32
      %dma_start3A_27 = arith.constant 0 : i32
      %dma_start3A_28 = tpu.memref_slice %arg4[%add3A, %dma_start3A_26, %dma_start3A_27] : memref<32x80x128xi32, #tpu.memory_space<hbm>> -> memref<1x80x128xi32, #tpu.memory_space<hbm>>
      %dma_start3A_29 = tpu.memref_squeeze %dma_start3A_28 : memref<1x80x128xi32, #tpu.memory_space<hbm>> -> memref<80x128xi32, #tpu.memory_space<hbm>>
      tpu.enqueue_dma source(%dma_start3A_29 : memref<80x128xi32, #tpu.memory_space<hbm>>) target(%arg8 : memref<80x128xi32, #tpu.memory_space<vmem>>) target_semaphore(%run_scoped3A : memref<!tpu.dma_semaphore, #tpu.memory_space<semaphore_mem>>)
      %dma_wait3A = arith.constant 0 : i32
      %dma_wait3A_30 = arith.constant 0 : i32
      %dma_wait3A_31 = tpu.memref_slice %arg4[%add3A, %dma_wait3A, %dma_wait3A_30] : memref<32x80x128xi32, #tpu.memory_space<hbm>> -> memref<1x80x128xi32, #tpu.memory_space<hbm>>
      %dma_wait3A_32 = tpu.memref_squeeze %dma_wait3A_31 : memref<1x80x128xi32, #tpu.memory_space<hbm>> -> memref<80x128xi32, #tpu.memory_space<hbm>>
      %dma_wait3A_33 = arith.constant 0 : i32
      %dma_wait3A_34 = arith.constant 0 : i32
      %dma_wait3A_35 = tpu.memref_slice %arg4[%add3A, %dma_wait3A_33, %dma_wait3A_34] : memref<32x80x128xi32, #tpu.memory_space<hbm>> -> memref<1x80x128xi32, #tpu.memory_space<hbm>>
      %dma_wait3A_36 = tpu.memref_squeeze %dma_wait3A_35 : memref<1x80x128xi32, #tpu.memory_space<hbm>> -> memref<80x128xi32, #tpu.memory_space<hbm>>
      tpu.wait_dma2 semaphore(%run_scoped3A : memref<!tpu.dma_semaphore, #tpu.memory_space<semaphore_mem>>) src(%dma_wait3A_36 : memref<80x128xi32, #tpu.memory_space<hbm>>) dst(%arg8 : memref<80x128xi32, #tpu.memory_space<vmem>>)
      tpu.yield
    }) : () -> ()
    %mul3A_1 = arith.constant 640 : i32
    %mul3A_2 = arith.muli %arg1, %mul3A_1 : i32
    "tpu.region"() ({
      %run_scoped3A = tpu.sem_alloc : memref<!tpu.dma_semaphore, #tpu.memory_space<semaphore_mem>>
      %dma_start3A_22 = arith.constant 0 : i32
      %dma_start3A_23 = tpu.memref_slice %arg11[%mul3A_2, %dma_start3A_22] : memref<10240x16xf32, #tpu.memory_space<vmem_shared>> -> memref<640x16xf32, #tpu.memory_space<vmem_shared>>
      %dma_start3A_24 = arith.constant 0 : i32
      %dma_start3A_25 = tpu.memref_slice %arg5[%mul3A_2, %dma_start3A_24] : memref<10240x16xf32, #tpu.memory_space<hbm>> -> memref<640x16xf32, #tpu.memory_space<hbm>>
      tpu.enqueue_dma source(%dma_start3A_25 : memref<640x16xf32, #tpu.memory_space<hbm>>) target(%dma_start3A_23 : memref<640x16xf32, #tpu.memory_space<vmem_shared>>) target_semaphore(%run_scoped3A : memref<!tpu.dma_semaphore, #tpu.memory_space<semaphore_mem>>)
      %dma_wait3A = arith.constant 0 : i32
      %dma_wait3A_26 = tpu.memref_slice %arg11[%mul3A_2, %dma_wait3A] : memref<10240x16xf32, #tpu.memory_space<vmem_shared>> -> memref<640x16xf32, #tpu.memory_space<vmem_shared>>
      %dma_wait3A_27 = arith.constant 0 : i32
      %dma_wait3A_28 = tpu.memref_slice %arg5[%mul3A_2, %dma_wait3A_27] : memref<10240x16xf32, #tpu.memory_space<hbm>> -> memref<640x16xf32, #tpu.memory_space<hbm>>
      tpu.wait_dma2 semaphore(%run_scoped3A : memref<!tpu.dma_semaphore, #tpu.memory_space<semaphore_mem>>) src(%dma_wait3A_28 : memref<640x16xf32, #tpu.memory_space<hbm>>) dst(%dma_wait3A_26 : memref<640x16xf32, #tpu.memory_space<vmem_shared>>)
      tpu.yield
    }) : () -> ()
    %barrier3A = arith.constant 0 : index
    tpu.barrier barrier_id(%barrier3A)
    %dma_start3A = arith.constant 0 : i32
    %dma_start3A_3 = arith.constant 0 : i32
    %dma_start3A_4 = tpu.memref_slice %arg7[%dma_start3A, %dma_start3A_3] : memref<80x128xi32, #tpu.memory_space<vmem>> -> memref<1x128xi32, #tpu.memory_space<vmem>>
    %dma_start3A_5 = tpu.memref_squeeze %dma_start3A_4 : memref<1x128xi32, #tpu.memory_space<vmem>> -> memref<128xi32, #tpu.memory_space<vmem>>
    %dma_start3A_6 = arith.constant 0 : i32
    %dma_start3A_7 = arith.constant 0 : i32
    %dma_start3A_8 = tpu.memref_slice %arg2[%dma_start3A_6, %dma_start3A_7] : memref<10240x16xf32, #tpu.memory_space<hbm>> -> memref<10240x16xf32, #tpu.memory_space<hbm>>
    tpu.enqueue_indirect_dma source(%dma_start3A_8 : memref<10240x16xf32, #tpu.memory_space<hbm>>) target(%arg9 : memref<128x16xf32, #tpu.memory_space<vmem>>) offsets(%dma_start3A_5 : memref<128xi32, #tpu.memory_space<vmem>>) semaphore(%arg12 : memref<!tpu.dma_semaphore, #tpu.memory_space<semaphore_mem>>)
    %dma_start3A_9 = arith.constant 1 : i32
    %dma_start3A_10 = arith.constant 0 : i32
    %dma_start3A_11 = tpu.memref_slice %arg7[%dma_start3A_9, %dma_start3A_10] : memref<80x128xi32, #tpu.memory_space<vmem>> -> memref<1x128xi32, #tpu.memory_space<vmem>>
    %dma_start3A_12 = tpu.memref_squeeze %dma_start3A_11 : memref<1x128xi32, #tpu.memory_space<vmem>> -> memref<128xi32, #tpu.memory_space<vmem>>
    %dma_start3A_13 = arith.constant 0 : i32
    %dma_start3A_14 = arith.constant 0 : i32
    %dma_start3A_15 = tpu.memref_slice %arg2[%dma_start3A_13, %dma_start3A_14] : memref<10240x16xf32, #tpu.memory_space<hbm>> -> memref<10240x16xf32, #tpu.memory_space<hbm>>
    tpu.enqueue_indirect_dma source(%dma_start3A_15 : memref<10240x16xf32, #tpu.memory_space<hbm>>) target(%arg10 : memref<128x16xf32, #tpu.memory_space<vmem>>) offsets(%dma_start3A_12 : memref<128xi32, #tpu.memory_space<vmem>>) semaphore(%arg13 : memref<!tpu.dma_semaphore, #tpu.memory_space<semaphore_mem>>)
    %scan3A = arith.constant 0 : i32
    %scan3A_16 = arith.constant 0 : i32
    %scan3A_17 = arith.constant 40 : i32
    %scan3A_18 = arith.addi %scan3A_16, %scan3A_17 : i32
    %scan3A_19 = arith.constant 1 : i32
    scf.for %scan3A_22 = %scan3A_16 to %scan3A_18 step %scan3A_19  : i32 {
      %mul3A_23 = arith.constant 2 : i32
      %mul3A_24 = arith.muli %mul3A_23, %scan3A_22 : i32
      %add3A_25 = arith.constant 0 : i32
      %add3A_26 = arith.addi %mul3A_24, %add3A_25 : i32
      %dma_wait3A = arith.constant 0 : i32
      %dma_wait3A_27 = tpu.memref_slice %arg7[%add3A_26, %dma_wait3A] : memref<80x128xi32, #tpu.memory_space<vmem>> -> memref<1x128xi32, #tpu.memory_space<vmem>>
      %dma_wait3A_28 = tpu.memref_squeeze %dma_wait3A_27 : memref<1x128xi32, #tpu.memory_space<vmem>> -> memref<128xi32, #tpu.memory_space<vmem>>
      %dma_wait3A_29 = arith.constant 0 : i32
      %dma_wait3A_30 = arith.constant 0 : i32
      %dma_wait3A_31 = tpu.memref_slice %arg2[%dma_wait3A_29, %dma_wait3A_30] : memref<10240x16xf32, #tpu.memory_space<hbm>> -> memref<10240x16xf32, #tpu.memory_space<hbm>>
      tpu.wait_indirect_dma semaphore(%arg12 : memref<!tpu.dma_semaphore, #tpu.memory_space<semaphore_mem>>) src(%dma_wait3A_31 : memref<10240x16xf32, #tpu.memory_space<hbm>>) dst(%arg9 : memref<128x16xf32, #tpu.memory_space<vmem>>)
      "tpu.region"() ({
        %run_scoped3A = tpu.sem_alloc : memref<!tpu.dma_semaphore, #tpu.memory_space<semaphore_mem>>
        %dma_start3A_53 = arith.constant 0 : i32
        %dma_start3A_54 = tpu.memref_slice %arg8[%add3A_26, %dma_start3A_53] : memref<80x128xi32, #tpu.memory_space<vmem>> -> memref<1x128xi32, #tpu.memory_space<vmem>>
        %dma_start3A_55 = tpu.memref_squeeze %dma_start3A_54 : memref<1x128xi32, #tpu.memory_space<vmem>> -> memref<128xi32, #tpu.memory_space<vmem>>
        %dma_start3A_56 = arith.constant 0 : i32
        %dma_start3A_57 = arith.constant 0 : i32
        %dma_start3A_58 = tpu.memref_slice %arg11[%dma_start3A_56, %dma_start3A_57] : memref<10240x16xf32, #tpu.memory_space<vmem_shared>> -> memref<10240x16xf32, #tpu.memory_space<vmem_shared>>
        tpu.enqueue_indirect_dma source(%arg9 : memref<128x16xf32, #tpu.memory_space<vmem>>) target(%dma_start3A_58 : memref<10240x16xf32, #tpu.memory_space<vmem_shared>>) offsets(%dma_start3A_55 : memref<128xi32, #tpu.memory_space<vmem>>) semaphore(%run_scoped3A : memref<!tpu.dma_semaphore, #tpu.memory_space<semaphore_mem>>) {add = true}
        %dma_wait3A_59 = arith.constant 0 : i32
        %dma_wait3A_60 = tpu.memref_slice %arg8[%add3A_26, %dma_wait3A_59] : memref<80x128xi32, #tpu.memory_space<vmem>> -> memref<1x128xi32, #tpu.memory_space<vmem>>
        %dma_wait3A_61 = tpu.memref_squeeze %dma_wait3A_60 : memref<1x128xi32, #tpu.memory_space<vmem>> -> memref<128xi32, #tpu.memory_space<vmem>>
        %dma_wait3A_62 = arith.constant 0 : i32
        %dma_wait3A_63 = arith.constant 0 : i32
        %dma_wait3A_64 = tpu.memref_slice %arg11[%dma_wait3A_62, %dma_wait3A_63] : memref<10240x16xf32, #tpu.memory_space<vmem_shared>> -> memref<10240x16xf32, #tpu.memory_space<vmem_shared>>
        tpu.wait_indirect_dma semaphore(%run_scoped3A : memref<!tpu.dma_semaphore, #tpu.memory_space<semaphore_mem>>) src(%arg9 : memref<128x16xf32, #tpu.memory_space<vmem>>) dst(%dma_wait3A_64 : memref<10240x16xf32, #tpu.memory_space<vmem_shared>>)
        tpu.yield
      }) : () -> ()
      %add3A_32 = arith.constant 2 : i32
      %add3A_33 = arith.addi %add3A_26, %add3A_32 : i32
      %lt3A = arith.constant 80 : i32
      %lt3A_34 = arith.cmpi slt, %add3A_33, %lt3A : i32
      %convert_element_type3A = arith.extui %lt3A_34 : i1 to i32
      %cond3A = arith.constant 0 : i32
      %cond3A_35 = arith.cmpi ne, %convert_element_type3A, %cond3A : i32
      scf.if %cond3A_35 {
        %add3A_53 = arith.constant 2 : i32
        %add3A_54 = arith.addi %add3A_26, %add3A_53 : i32
        %dma_start3A_55 = arith.constant 0 : i32
        %dma_start3A_56 = tpu.memref_slice %arg7[%add3A_54, %dma_start3A_55] : memref<80x128xi32, #tpu.memory_space<vmem>> -> memref<1x128xi32, #tpu.memory_space<vmem>>
        %dma_start3A_57 = tpu.memref_squeeze %dma_start3A_56 : memref<1x128xi32, #tpu.memory_space<vmem>> -> memref<128xi32, #tpu.memory_space<vmem>>
        %dma_start3A_58 = arith.constant 0 : i32
        %dma_start3A_59 = arith.constant 0 : i32
        %dma_start3A_60 = tpu.memref_slice %arg2[%dma_start3A_58, %dma_start3A_59] : memref<10240x16xf32, #tpu.memory_space<hbm>> -> memref<10240x16xf32, #tpu.memory_space<hbm>>
        tpu.enqueue_indirect_dma source(%dma_start3A_60 : memref<10240x16xf32, #tpu.memory_space<hbm>>) target(%arg9 : memref<128x16xf32, #tpu.memory_space<vmem>>) offsets(%dma_start3A_57 : memref<128xi32, #tpu.memory_space<vmem>>) semaphore(%arg12 : memref<!tpu.dma_semaphore, #tpu.memory_space<semaphore_mem>>)
      } else {
      }
      %mul3A_36 = arith.constant 2 : i32
      %mul3A_37 = arith.muli %mul3A_36, %scan3A_22 : i32
      %add3A_38 = arith.constant 1 : i32
      %add3A_39 = arith.addi %mul3A_37, %add3A_38 : i32
      %dma_wait3A_40 = arith.constant 0 : i32
      %dma_wait3A_41 = tpu.memref_slice %arg7[%add3A_39, %dma_wait3A_40] : memref<80x128xi32, #tpu.memory_space<vmem>> -> memref<1x128xi32, #tpu.memory_space<vmem>>
      %dma_wait3A_42 = tpu.memref_squeeze %dma_wait3A_41 : memref<1x128xi32, #tpu.memory_space<vmem>> -> memref<128xi32, #tpu.memory_space<vmem>>
      %dma_wait3A_43 = arith.constant 0 : i32
      %dma_wait3A_44 = arith.constant 0 : i32
      %dma_wait3A_45 = tpu.memref_slice %arg2[%dma_wait3A_43, %dma_wait3A_44] : memref<10240x16xf32, #tpu.memory_space<hbm>> -> memref<10240x16xf32, #tpu.memory_space<hbm>>
      tpu.wait_indirect_dma semaphore(%arg13 : memref<!tpu.dma_semaphore, #tpu.memory_space<semaphore_mem>>) src(%dma_wait3A_45 : memref<10240x16xf32, #tpu.memory_space<hbm>>) dst(%arg10 : memref<128x16xf32, #tpu.memory_space<vmem>>)
      "tpu.region"() ({
        %run_scoped3A = tpu.sem_alloc : memref<!tpu.dma_semaphore, #tpu.memory_space<semaphore_mem>>
        %dma_start3A_53 = arith.constant 0 : i32
        %dma_start3A_54 = tpu.memref_slice %arg8[%add3A_39, %dma_start3A_53] : memref<80x128xi32, #tpu.memory_space<vmem>> -> memref<1x128xi32, #tpu.memory_space<vmem>>
        %dma_start3A_55 = tpu.memref_squeeze %dma_start3A_54 : memref<1x128xi32, #tpu.memory_space<vmem>> -> memref<128xi32, #tpu.memory_space<vmem>>
        %dma_start3A_56 = arith.constant 0 : i32
        %dma_start3A_57 = arith.constant 0 : i32
        %dma_start3A_58 = tpu.memref_slice %arg11[%dma_start3A_56, %dma_start3A_57] : memref<10240x16xf32, #tpu.memory_space<vmem_shared>> -> memref<10240x16xf32, #tpu.memory_space<vmem_shared>>
        tpu.enqueue_indirect_dma source(%arg10 : memref<128x16xf32, #tpu.memory_space<vmem>>) target(%dma_start3A_58 : memref<10240x16xf32, #tpu.memory_space<vmem_shared>>) offsets(%dma_start3A_55 : memref<128xi32, #tpu.memory_space<vmem>>) semaphore(%run_scoped3A : memref<!tpu.dma_semaphore, #tpu.memory_space<semaphore_mem>>) {add = true}
        %dma_wait3A_59 = arith.constant 0 : i32
        %dma_wait3A_60 = tpu.memref_slice %arg8[%add3A_39, %dma_wait3A_59] : memref<80x128xi32, #tpu.memory_space<vmem>> -> memref<1x128xi32, #tpu.memory_space<vmem>>
        %dma_wait3A_61 = tpu.memref_squeeze %dma_wait3A_60 : memref<1x128xi32, #tpu.memory_space<vmem>> -> memref<128xi32, #tpu.memory_space<vmem>>
        %dma_wait3A_62 = arith.constant 0 : i32
        %dma_wait3A_63 = arith.constant 0 : i32
        %dma_wait3A_64 = tpu.memref_slice %arg11[%dma_wait3A_62, %dma_wait3A_63] : memref<10240x16xf32, #tpu.memory_space<vmem_shared>> -> memref<10240x16xf32, #tpu.memory_space<vmem_shared>>
        tpu.wait_indirect_dma semaphore(%run_scoped3A : memref<!tpu.dma_semaphore, #tpu.memory_space<semaphore_mem>>) src(%arg10 : memref<128x16xf32, #tpu.memory_space<vmem>>) dst(%dma_wait3A_64 : memref<10240x16xf32, #tpu.memory_space<vmem_shared>>)
        tpu.yield
      }) : () -> ()
      %add3A_46 = arith.constant 2 : i32
      %add3A_47 = arith.addi %add3A_39, %add3A_46 : i32
      %lt3A_48 = arith.constant 80 : i32
      %lt3A_49 = arith.cmpi slt, %add3A_47, %lt3A_48 : i32
      %convert_element_type3A_50 = arith.extui %lt3A_49 : i1 to i32
      %cond3A_51 = arith.constant 0 : i32
      %cond3A_52 = arith.cmpi ne, %convert_element_type3A_50, %cond3A_51 : i32
      scf.if %cond3A_52 {
        %add3A_53 = arith.constant 2 : i32
        %add3A_54 = arith.addi %add3A_39, %add3A_53 : i32
        %dma_start3A_55 = arith.constant 0 : i32
        %dma_start3A_56 = tpu.memref_slice %arg7[%add3A_54, %dma_start3A_55] : memref<80x128xi32, #tpu.memory_space<vmem>> -> memref<1x128xi32, #tpu.memory_space<vmem>>
        %dma_start3A_57 = tpu.memref_squeeze %dma_start3A_56 : memref<1x128xi32, #tpu.memory_space<vmem>> -> memref<128xi32, #tpu.memory_space<vmem>>
        %dma_start3A_58 = arith.constant 0 : i32
        %dma_start3A_59 = arith.constant 0 : i32
        %dma_start3A_60 = tpu.memref_slice %arg2[%dma_start3A_58, %dma_start3A_59] : memref<10240x16xf32, #tpu.memory_space<hbm>> -> memref<10240x16xf32, #tpu.memory_space<hbm>>
        tpu.enqueue_indirect_dma source(%dma_start3A_60 : memref<10240x16xf32, #tpu.memory_space<hbm>>) target(%arg10 : memref<128x16xf32, #tpu.memory_space<vmem>>) offsets(%dma_start3A_57 : memref<128xi32, #tpu.memory_space<vmem>>) semaphore(%arg13 : memref<!tpu.dma_semaphore, #tpu.memory_space<semaphore_mem>>)
      } else {
      }
    }
    %scan3A_20 = arith.constant 40 : i32
    %barrier3A_21 = arith.constant 0 : index
    tpu.barrier barrier_id(%barrier3A_21)
    "tpu.region"() ({
      %run_scoped3A = tpu.sem_alloc : memref<!tpu.dma_semaphore, #tpu.memory_space<semaphore_mem>>
      %dma_start3A_22 = arith.constant 0 : i32
      %dma_start3A_23 = tpu.memref_slice %arg6[%arg0, %mul3A_2, %dma_start3A_22] : memref<2x10240x16xf32, #tpu.memory_space<hbm>> -> memref<1x640x16xf32, #tpu.memory_space<hbm>>
      %dma_start3A_24 = tpu.memref_squeeze %dma_start3A_23 : memref<1x640x16xf32, #tpu.memory_space<hbm>> -> memref<640x16xf32, #tpu.memory_space<hbm>>
      %dma_start3A_25 = arith.constant 0 : i32
      %dma_start3A_26 = tpu.memref_slice %arg11[%mul3A_2, %dma_start3A_25] : memref<10240x16xf32, #tpu.memory_space<vmem_shared>> -> memref<640x16xf32, #tpu.memory_space<vmem_shared>>
      tpu.enqueue_dma source(%dma_start3A_26 : memref<640x16xf32, #tpu.memory_space<vmem_shared>>) target(%dma_start3A_24 : memref<640x16xf32, #tpu.memory_space<hbm>>) target_semaphore(%run_scoped3A : memref<!tpu.dma_semaphore, #tpu.memory_space<semaphore_mem>>)
      %dma_wait3A = arith.constant 0 : i32
      %dma_wait3A_27 = tpu.memref_slice %arg6[%arg0, %mul3A_2, %dma_wait3A] : memref<2x10240x16xf32, #tpu.memory_space<hbm>> -> memref<1x640x16xf32, #tpu.memory_space<hbm>>
      %dma_wait3A_28 = tpu.memref_squeeze %dma_wait3A_27 : memref<1x640x16xf32, #tpu.memory_space<hbm>> -> memref<640x16xf32, #tpu.memory_space<hbm>>
      %dma_wait3A_29 = arith.constant 0 : i32
      %dma_wait3A_30 = tpu.memref_slice %arg11[%mul3A_2, %dma_wait3A_29] : memref<10240x16xf32, #tpu.memory_space<vmem_shared>> -> memref<640x16xf32, #tpu.memory_space<vmem_shared>>
      tpu.wait_dma2 semaphore(%run_scoped3A : memref<!tpu.dma_semaphore, #tpu.memory_space<semaphore_mem>>) src(%dma_wait3A_30 : memref<640x16xf32, #tpu.memory_space<vmem_shared>>) dst(%dma_wait3A_28 : memref<640x16xf32, #tpu.memory_space<hbm>>)
      tpu.yield
    }) : () -> ()
    return
  }
}

#map = affine_map<(d0, d1) -> (0, 0)>
#map1 = affine_map<(d0, d1) -> (0, 0, 0)>
module attributes {stable_mosaic.version = 14 : i64} {
  func.func @agg_kernel(%arg0: i32, %arg1: i32, %arg2: memref<10240x128xf32, #tpu.memory_space<hbm>>, %arg3: memref<32x128x80xi32, #tpu.memory_space<hbm>>, %arg4: memref<32x128x80xi32, #tpu.memory_space<hbm>>, %arg5: memref<10240x128xf32, #tpu.memory_space<hbm>>, %arg6: memref<2x10240x128xf32, #tpu.memory_space<hbm>>, %arg7: memref<128x80xi32, #tpu.memory_space<vmem>>, %arg8: memref<128x80xi32, #tpu.memory_space<vmem>>, %arg9: memref<80x128xf32, #tpu.memory_space<vmem>>, %arg10: memref<80x128xf32, #tpu.memory_space<vmem>>, %arg11: memref<10240x128xf32, #tpu.memory_space<vmem_shared>>, %arg12: memref<!tpu.dma_semaphore, #tpu.memory_space<semaphore_mem>>, %arg13: memref<!tpu.dma_semaphore, #tpu.memory_space<semaphore_mem>>) attributes {dimension_semantics = [#tpu.dimension_semantics<core_parallel>, #tpu.dimension_semantics<subcore_parallel>], iteration_bounds = array<i64: 2, 16>, scalar_prefetch = 0 : i64, scratch_operands = 7 : i64, tpu.core_type = #tpu.core_type<sc_vector_subcore>, window_params = [{transform_indices = #map}, {transform_indices = #map1}, {transform_indices = #map1}, {transform_indices = #map}, {transform_indices = #map1}]} {
    %mul3A = arith.constant 16 : i32
    %mul3A_0 = arith.muli %arg0, %mul3A : i32
    %add3A = arith.addi %mul3A_0, %arg1 : i32
    "tpu.region"() ({
      %run_scoped3A = tpu.sem_alloc : memref<!tpu.dma_semaphore, #tpu.memory_space<semaphore_mem>>
      %dma_start3A_22 = arith.constant 0 : i32
      %dma_start3A_23 = arith.constant 0 : i32
      %dma_start3A_24 = tpu.memref_slice %arg3[%add3A, %dma_start3A_22, %dma_start3A_23] : memref<32x128x80xi32, #tpu.memory_space<hbm>> -> memref<1x128x80xi32, #tpu.memory_space<hbm>>
      %dma_start3A_25 = tpu.memref_squeeze %dma_start3A_24 : memref<1x128x80xi32, #tpu.memory_space<hbm>> -> memref<128x80xi32, #tpu.memory_space<hbm>>
      %dma_start3A_26 = arith.constant 0 : i32
      %dma_start3A_27 = arith.constant 0 : i32
      %dma_start3A_28 = tpu.memref_slice %arg3[%add3A, %dma_start3A_26, %dma_start3A_27] : memref<32x128x80xi32, #tpu.memory_space<hbm>> -> memref<1x128x80xi32, #tpu.memory_space<hbm>>
      %dma_start3A_29 = tpu.memref_squeeze %dma_start3A_28 : memref<1x128x80xi32, #tpu.memory_space<hbm>> -> memref<128x80xi32, #tpu.memory_space<hbm>>
      tpu.enqueue_dma source(%dma_start3A_29 : memref<128x80xi32, #tpu.memory_space<hbm>>) target(%arg7 : memref<128x80xi32, #tpu.memory_space<vmem>>) target_semaphore(%run_scoped3A : memref<!tpu.dma_semaphore, #tpu.memory_space<semaphore_mem>>)
      %dma_wait3A = arith.constant 0 : i32
      %dma_wait3A_30 = arith.constant 0 : i32
      %dma_wait3A_31 = tpu.memref_slice %arg3[%add3A, %dma_wait3A, %dma_wait3A_30] : memref<32x128x80xi32, #tpu.memory_space<hbm>> -> memref<1x128x80xi32, #tpu.memory_space<hbm>>
      %dma_wait3A_32 = tpu.memref_squeeze %dma_wait3A_31 : memref<1x128x80xi32, #tpu.memory_space<hbm>> -> memref<128x80xi32, #tpu.memory_space<hbm>>
      %dma_wait3A_33 = arith.constant 0 : i32
      %dma_wait3A_34 = arith.constant 0 : i32
      %dma_wait3A_35 = tpu.memref_slice %arg3[%add3A, %dma_wait3A_33, %dma_wait3A_34] : memref<32x128x80xi32, #tpu.memory_space<hbm>> -> memref<1x128x80xi32, #tpu.memory_space<hbm>>
      %dma_wait3A_36 = tpu.memref_squeeze %dma_wait3A_35 : memref<1x128x80xi32, #tpu.memory_space<hbm>> -> memref<128x80xi32, #tpu.memory_space<hbm>>
      tpu.wait_dma2 semaphore(%run_scoped3A : memref<!tpu.dma_semaphore, #tpu.memory_space<semaphore_mem>>) src(%dma_wait3A_36 : memref<128x80xi32, #tpu.memory_space<hbm>>) dst(%arg7 : memref<128x80xi32, #tpu.memory_space<vmem>>)
      tpu.yield
    }) : () -> ()
    "tpu.region"() ({
      %run_scoped3A = tpu.sem_alloc : memref<!tpu.dma_semaphore, #tpu.memory_space<semaphore_mem>>
      %dma_start3A_22 = arith.constant 0 : i32
      %dma_start3A_23 = arith.constant 0 : i32
      %dma_start3A_24 = tpu.memref_slice %arg4[%add3A, %dma_start3A_22, %dma_start3A_23] : memref<32x128x80xi32, #tpu.memory_space<hbm>> -> memref<1x128x80xi32, #tpu.memory_space<hbm>>
      %dma_start3A_25 = tpu.memref_squeeze %dma_start3A_24 : memref<1x128x80xi32, #tpu.memory_space<hbm>> -> memref<128x80xi32, #tpu.memory_space<hbm>>
      %dma_start3A_26 = arith.constant 0 : i32
      %dma_start3A_27 = arith.constant 0 : i32
      %dma_start3A_28 = tpu.memref_slice %arg4[%add3A, %dma_start3A_26, %dma_start3A_27] : memref<32x128x80xi32, #tpu.memory_space<hbm>> -> memref<1x128x80xi32, #tpu.memory_space<hbm>>
      %dma_start3A_29 = tpu.memref_squeeze %dma_start3A_28 : memref<1x128x80xi32, #tpu.memory_space<hbm>> -> memref<128x80xi32, #tpu.memory_space<hbm>>
      tpu.enqueue_dma source(%dma_start3A_29 : memref<128x80xi32, #tpu.memory_space<hbm>>) target(%arg8 : memref<128x80xi32, #tpu.memory_space<vmem>>) target_semaphore(%run_scoped3A : memref<!tpu.dma_semaphore, #tpu.memory_space<semaphore_mem>>)
      %dma_wait3A = arith.constant 0 : i32
      %dma_wait3A_30 = arith.constant 0 : i32
      %dma_wait3A_31 = tpu.memref_slice %arg4[%add3A, %dma_wait3A, %dma_wait3A_30] : memref<32x128x80xi32, #tpu.memory_space<hbm>> -> memref<1x128x80xi32, #tpu.memory_space<hbm>>
      %dma_wait3A_32 = tpu.memref_squeeze %dma_wait3A_31 : memref<1x128x80xi32, #tpu.memory_space<hbm>> -> memref<128x80xi32, #tpu.memory_space<hbm>>
      %dma_wait3A_33 = arith.constant 0 : i32
      %dma_wait3A_34 = arith.constant 0 : i32
      %dma_wait3A_35 = tpu.memref_slice %arg4[%add3A, %dma_wait3A_33, %dma_wait3A_34] : memref<32x128x80xi32, #tpu.memory_space<hbm>> -> memref<1x128x80xi32, #tpu.memory_space<hbm>>
      %dma_wait3A_36 = tpu.memref_squeeze %dma_wait3A_35 : memref<1x128x80xi32, #tpu.memory_space<hbm>> -> memref<128x80xi32, #tpu.memory_space<hbm>>
      tpu.wait_dma2 semaphore(%run_scoped3A : memref<!tpu.dma_semaphore, #tpu.memory_space<semaphore_mem>>) src(%dma_wait3A_36 : memref<128x80xi32, #tpu.memory_space<hbm>>) dst(%arg8 : memref<128x80xi32, #tpu.memory_space<vmem>>)
      tpu.yield
    }) : () -> ()
    %mul3A_1 = arith.constant 640 : i32
    %mul3A_2 = arith.muli %arg1, %mul3A_1 : i32
    "tpu.region"() ({
      %run_scoped3A = tpu.sem_alloc : memref<!tpu.dma_semaphore, #tpu.memory_space<semaphore_mem>>
      %dma_start3A_22 = arith.constant 0 : i32
      %dma_start3A_23 = tpu.memref_slice %arg11[%mul3A_2, %dma_start3A_22] : memref<10240x128xf32, #tpu.memory_space<vmem_shared>> -> memref<640x128xf32, #tpu.memory_space<vmem_shared>>
      %dma_start3A_24 = arith.constant 0 : i32
      %dma_start3A_25 = tpu.memref_slice %arg5[%mul3A_2, %dma_start3A_24] : memref<10240x128xf32, #tpu.memory_space<hbm>> -> memref<640x128xf32, #tpu.memory_space<hbm>>
      tpu.enqueue_dma source(%dma_start3A_25 : memref<640x128xf32, #tpu.memory_space<hbm>>) target(%dma_start3A_23 : memref<640x128xf32, #tpu.memory_space<vmem_shared>>) target_semaphore(%run_scoped3A : memref<!tpu.dma_semaphore, #tpu.memory_space<semaphore_mem>>)
      %dma_wait3A = arith.constant 0 : i32
      %dma_wait3A_26 = tpu.memref_slice %arg11[%mul3A_2, %dma_wait3A] : memref<10240x128xf32, #tpu.memory_space<vmem_shared>> -> memref<640x128xf32, #tpu.memory_space<vmem_shared>>
      %dma_wait3A_27 = arith.constant 0 : i32
      %dma_wait3A_28 = tpu.memref_slice %arg5[%mul3A_2, %dma_wait3A_27] : memref<10240x128xf32, #tpu.memory_space<hbm>> -> memref<640x128xf32, #tpu.memory_space<hbm>>
      tpu.wait_dma2 semaphore(%run_scoped3A : memref<!tpu.dma_semaphore, #tpu.memory_space<semaphore_mem>>) src(%dma_wait3A_28 : memref<640x128xf32, #tpu.memory_space<hbm>>) dst(%dma_wait3A_26 : memref<640x128xf32, #tpu.memory_space<vmem_shared>>)
      tpu.yield
    }) : () -> ()
    %barrier3A = arith.constant 0 : index
    tpu.barrier barrier_id(%barrier3A)
    %dma_start3A = arith.constant 0 : i32
    %dma_start3A_3 = arith.constant 0 : i32
    %dma_start3A_4 = tpu.memref_slice %arg7[%dma_start3A, %dma_start3A_3] : memref<128x80xi32, #tpu.memory_space<vmem>> -> memref<1x80xi32, #tpu.memory_space<vmem>>
    %dma_start3A_5 = tpu.memref_squeeze %dma_start3A_4 : memref<1x80xi32, #tpu.memory_space<vmem>> -> memref<80xi32, #tpu.memory_space<vmem>>
    %dma_start3A_6 = arith.constant 0 : i32
    %dma_start3A_7 = arith.constant 0 : i32
    %dma_start3A_8 = tpu.memref_slice %arg2[%dma_start3A_6, %dma_start3A_7] : memref<10240x128xf32, #tpu.memory_space<hbm>> -> memref<10240x128xf32, #tpu.memory_space<hbm>>
    tpu.enqueue_indirect_dma source(%dma_start3A_8 : memref<10240x128xf32, #tpu.memory_space<hbm>>) target(%arg9 : memref<80x128xf32, #tpu.memory_space<vmem>>) offsets(%dma_start3A_5 : memref<80xi32, #tpu.memory_space<vmem>>) semaphore(%arg12 : memref<!tpu.dma_semaphore, #tpu.memory_space<semaphore_mem>>)
    %dma_start3A_9 = arith.constant 1 : i32
    %dma_start3A_10 = arith.constant 0 : i32
    %dma_start3A_11 = tpu.memref_slice %arg7[%dma_start3A_9, %dma_start3A_10] : memref<128x80xi32, #tpu.memory_space<vmem>> -> memref<1x80xi32, #tpu.memory_space<vmem>>
    %dma_start3A_12 = tpu.memref_squeeze %dma_start3A_11 : memref<1x80xi32, #tpu.memory_space<vmem>> -> memref<80xi32, #tpu.memory_space<vmem>>
    %dma_start3A_13 = arith.constant 0 : i32
    %dma_start3A_14 = arith.constant 0 : i32
    %dma_start3A_15 = tpu.memref_slice %arg2[%dma_start3A_13, %dma_start3A_14] : memref<10240x128xf32, #tpu.memory_space<hbm>> -> memref<10240x128xf32, #tpu.memory_space<hbm>>
    tpu.enqueue_indirect_dma source(%dma_start3A_15 : memref<10240x128xf32, #tpu.memory_space<hbm>>) target(%arg10 : memref<80x128xf32, #tpu.memory_space<vmem>>) offsets(%dma_start3A_12 : memref<80xi32, #tpu.memory_space<vmem>>) semaphore(%arg13 : memref<!tpu.dma_semaphore, #tpu.memory_space<semaphore_mem>>)
    %scan3A = arith.constant 0 : i32
    %scan3A_16 = arith.constant 0 : i32
    %scan3A_17 = arith.constant 64 : i32
    %scan3A_18 = arith.addi %scan3A_16, %scan3A_17 : i32
    %scan3A_19 = arith.constant 1 : i32
    scf.for %scan3A_22 = %scan3A_16 to %scan3A_18 step %scan3A_19  : i32 {
      %mul3A_23 = arith.constant 2 : i32
      %mul3A_24 = arith.muli %mul3A_23, %scan3A_22 : i32
      %add3A_25 = arith.constant 0 : i32
      %add3A_26 = arith.addi %mul3A_24, %add3A_25 : i32
      %dma_wait3A = arith.constant 0 : i32
      %dma_wait3A_27 = tpu.memref_slice %arg7[%add3A_26, %dma_wait3A] : memref<128x80xi32, #tpu.memory_space<vmem>> -> memref<1x80xi32, #tpu.memory_space<vmem>>
      %dma_wait3A_28 = tpu.memref_squeeze %dma_wait3A_27 : memref<1x80xi32, #tpu.memory_space<vmem>> -> memref<80xi32, #tpu.memory_space<vmem>>
      %dma_wait3A_29 = arith.constant 0 : i32
      %dma_wait3A_30 = arith.constant 0 : i32
      %dma_wait3A_31 = tpu.memref_slice %arg2[%dma_wait3A_29, %dma_wait3A_30] : memref<10240x128xf32, #tpu.memory_space<hbm>> -> memref<10240x128xf32, #tpu.memory_space<hbm>>
      tpu.wait_indirect_dma semaphore(%arg12 : memref<!tpu.dma_semaphore, #tpu.memory_space<semaphore_mem>>) src(%dma_wait3A_31 : memref<10240x128xf32, #tpu.memory_space<hbm>>) dst(%arg9 : memref<80x128xf32, #tpu.memory_space<vmem>>)
      "tpu.region"() ({
        %run_scoped3A = tpu.sem_alloc : memref<!tpu.dma_semaphore, #tpu.memory_space<semaphore_mem>>
        %dma_start3A_53 = arith.constant 0 : i32
        %dma_start3A_54 = tpu.memref_slice %arg8[%add3A_26, %dma_start3A_53] : memref<128x80xi32, #tpu.memory_space<vmem>> -> memref<1x80xi32, #tpu.memory_space<vmem>>
        %dma_start3A_55 = tpu.memref_squeeze %dma_start3A_54 : memref<1x80xi32, #tpu.memory_space<vmem>> -> memref<80xi32, #tpu.memory_space<vmem>>
        %dma_start3A_56 = arith.constant 0 : i32
        %dma_start3A_57 = arith.constant 0 : i32
        %dma_start3A_58 = tpu.memref_slice %arg11[%dma_start3A_56, %dma_start3A_57] : memref<10240x128xf32, #tpu.memory_space<vmem_shared>> -> memref<10240x128xf32, #tpu.memory_space<vmem_shared>>
        tpu.enqueue_indirect_dma source(%arg9 : memref<80x128xf32, #tpu.memory_space<vmem>>) target(%dma_start3A_58 : memref<10240x128xf32, #tpu.memory_space<vmem_shared>>) offsets(%dma_start3A_55 : memref<80xi32, #tpu.memory_space<vmem>>) semaphore(%run_scoped3A : memref<!tpu.dma_semaphore, #tpu.memory_space<semaphore_mem>>) {add = true}
        %dma_wait3A_59 = arith.constant 0 : i32
        %dma_wait3A_60 = tpu.memref_slice %arg8[%add3A_26, %dma_wait3A_59] : memref<128x80xi32, #tpu.memory_space<vmem>> -> memref<1x80xi32, #tpu.memory_space<vmem>>
        %dma_wait3A_61 = tpu.memref_squeeze %dma_wait3A_60 : memref<1x80xi32, #tpu.memory_space<vmem>> -> memref<80xi32, #tpu.memory_space<vmem>>
        %dma_wait3A_62 = arith.constant 0 : i32
        %dma_wait3A_63 = arith.constant 0 : i32
        %dma_wait3A_64 = tpu.memref_slice %arg11[%dma_wait3A_62, %dma_wait3A_63] : memref<10240x128xf32, #tpu.memory_space<vmem_shared>> -> memref<10240x128xf32, #tpu.memory_space<vmem_shared>>
        tpu.wait_indirect_dma semaphore(%run_scoped3A : memref<!tpu.dma_semaphore, #tpu.memory_space<semaphore_mem>>) src(%arg9 : memref<80x128xf32, #tpu.memory_space<vmem>>) dst(%dma_wait3A_64 : memref<10240x128xf32, #tpu.memory_space<vmem_shared>>)
        tpu.yield
      }) : () -> ()
      %add3A_32 = arith.constant 2 : i32
      %add3A_33 = arith.addi %add3A_26, %add3A_32 : i32
      %lt3A = arith.constant 128 : i32
      %lt3A_34 = arith.cmpi slt, %add3A_33, %lt3A : i32
      %convert_element_type3A = arith.extui %lt3A_34 : i1 to i32
      %cond3A = arith.constant 0 : i32
      %cond3A_35 = arith.cmpi ne, %convert_element_type3A, %cond3A : i32
      scf.if %cond3A_35 {
        %add3A_53 = arith.constant 2 : i32
        %add3A_54 = arith.addi %add3A_26, %add3A_53 : i32
        %dma_start3A_55 = arith.constant 0 : i32
        %dma_start3A_56 = tpu.memref_slice %arg7[%add3A_54, %dma_start3A_55] : memref<128x80xi32, #tpu.memory_space<vmem>> -> memref<1x80xi32, #tpu.memory_space<vmem>>
        %dma_start3A_57 = tpu.memref_squeeze %dma_start3A_56 : memref<1x80xi32, #tpu.memory_space<vmem>> -> memref<80xi32, #tpu.memory_space<vmem>>
        %dma_start3A_58 = arith.constant 0 : i32
        %dma_start3A_59 = arith.constant 0 : i32
        %dma_start3A_60 = tpu.memref_slice %arg2[%dma_start3A_58, %dma_start3A_59] : memref<10240x128xf32, #tpu.memory_space<hbm>> -> memref<10240x128xf32, #tpu.memory_space<hbm>>
        tpu.enqueue_indirect_dma source(%dma_start3A_60 : memref<10240x128xf32, #tpu.memory_space<hbm>>) target(%arg9 : memref<80x128xf32, #tpu.memory_space<vmem>>) offsets(%dma_start3A_57 : memref<80xi32, #tpu.memory_space<vmem>>) semaphore(%arg12 : memref<!tpu.dma_semaphore, #tpu.memory_space<semaphore_mem>>)
      } else {
      }
      %mul3A_36 = arith.constant 2 : i32
      %mul3A_37 = arith.muli %mul3A_36, %scan3A_22 : i32
      %add3A_38 = arith.constant 1 : i32
      %add3A_39 = arith.addi %mul3A_37, %add3A_38 : i32
      %dma_wait3A_40 = arith.constant 0 : i32
      %dma_wait3A_41 = tpu.memref_slice %arg7[%add3A_39, %dma_wait3A_40] : memref<128x80xi32, #tpu.memory_space<vmem>> -> memref<1x80xi32, #tpu.memory_space<vmem>>
      %dma_wait3A_42 = tpu.memref_squeeze %dma_wait3A_41 : memref<1x80xi32, #tpu.memory_space<vmem>> -> memref<80xi32, #tpu.memory_space<vmem>>
      %dma_wait3A_43 = arith.constant 0 : i32
      %dma_wait3A_44 = arith.constant 0 : i32
      %dma_wait3A_45 = tpu.memref_slice %arg2[%dma_wait3A_43, %dma_wait3A_44] : memref<10240x128xf32, #tpu.memory_space<hbm>> -> memref<10240x128xf32, #tpu.memory_space<hbm>>
      tpu.wait_indirect_dma semaphore(%arg13 : memref<!tpu.dma_semaphore, #tpu.memory_space<semaphore_mem>>) src(%dma_wait3A_45 : memref<10240x128xf32, #tpu.memory_space<hbm>>) dst(%arg10 : memref<80x128xf32, #tpu.memory_space<vmem>>)
      "tpu.region"() ({
        %run_scoped3A = tpu.sem_alloc : memref<!tpu.dma_semaphore, #tpu.memory_space<semaphore_mem>>
        %dma_start3A_53 = arith.constant 0 : i32
        %dma_start3A_54 = tpu.memref_slice %arg8[%add3A_39, %dma_start3A_53] : memref<128x80xi32, #tpu.memory_space<vmem>> -> memref<1x80xi32, #tpu.memory_space<vmem>>
        %dma_start3A_55 = tpu.memref_squeeze %dma_start3A_54 : memref<1x80xi32, #tpu.memory_space<vmem>> -> memref<80xi32, #tpu.memory_space<vmem>>
        %dma_start3A_56 = arith.constant 0 : i32
        %dma_start3A_57 = arith.constant 0 : i32
        %dma_start3A_58 = tpu.memref_slice %arg11[%dma_start3A_56, %dma_start3A_57] : memref<10240x128xf32, #tpu.memory_space<vmem_shared>> -> memref<10240x128xf32, #tpu.memory_space<vmem_shared>>
        tpu.enqueue_indirect_dma source(%arg10 : memref<80x128xf32, #tpu.memory_space<vmem>>) target(%dma_start3A_58 : memref<10240x128xf32, #tpu.memory_space<vmem_shared>>) offsets(%dma_start3A_55 : memref<80xi32, #tpu.memory_space<vmem>>) semaphore(%run_scoped3A : memref<!tpu.dma_semaphore, #tpu.memory_space<semaphore_mem>>) {add = true}
        %dma_wait3A_59 = arith.constant 0 : i32
        %dma_wait3A_60 = tpu.memref_slice %arg8[%add3A_39, %dma_wait3A_59] : memref<128x80xi32, #tpu.memory_space<vmem>> -> memref<1x80xi32, #tpu.memory_space<vmem>>
        %dma_wait3A_61 = tpu.memref_squeeze %dma_wait3A_60 : memref<1x80xi32, #tpu.memory_space<vmem>> -> memref<80xi32, #tpu.memory_space<vmem>>
        %dma_wait3A_62 = arith.constant 0 : i32
        %dma_wait3A_63 = arith.constant 0 : i32
        %dma_wait3A_64 = tpu.memref_slice %arg11[%dma_wait3A_62, %dma_wait3A_63] : memref<10240x128xf32, #tpu.memory_space<vmem_shared>> -> memref<10240x128xf32, #tpu.memory_space<vmem_shared>>
        tpu.wait_indirect_dma semaphore(%run_scoped3A : memref<!tpu.dma_semaphore, #tpu.memory_space<semaphore_mem>>) src(%arg10 : memref<80x128xf32, #tpu.memory_space<vmem>>) dst(%dma_wait3A_64 : memref<10240x128xf32, #tpu.memory_space<vmem_shared>>)
        tpu.yield
      }) : () -> ()
      %add3A_46 = arith.constant 2 : i32
      %add3A_47 = arith.addi %add3A_39, %add3A_46 : i32
      %lt3A_48 = arith.constant 128 : i32
      %lt3A_49 = arith.cmpi slt, %add3A_47, %lt3A_48 : i32
      %convert_element_type3A_50 = arith.extui %lt3A_49 : i1 to i32
      %cond3A_51 = arith.constant 0 : i32
      %cond3A_52 = arith.cmpi ne, %convert_element_type3A_50, %cond3A_51 : i32
      scf.if %cond3A_52 {
        %add3A_53 = arith.constant 2 : i32
        %add3A_54 = arith.addi %add3A_39, %add3A_53 : i32
        %dma_start3A_55 = arith.constant 0 : i32
        %dma_start3A_56 = tpu.memref_slice %arg7[%add3A_54, %dma_start3A_55] : memref<128x80xi32, #tpu.memory_space<vmem>> -> memref<1x80xi32, #tpu.memory_space<vmem>>
        %dma_start3A_57 = tpu.memref_squeeze %dma_start3A_56 : memref<1x80xi32, #tpu.memory_space<vmem>> -> memref<80xi32, #tpu.memory_space<vmem>>
        %dma_start3A_58 = arith.constant 0 : i32
        %dma_start3A_59 = arith.constant 0 : i32
        %dma_start3A_60 = tpu.memref_slice %arg2[%dma_start3A_58, %dma_start3A_59] : memref<10240x128xf32, #tpu.memory_space<hbm>> -> memref<10240x128xf32, #tpu.memory_space<hbm>>
        tpu.enqueue_indirect_dma source(%dma_start3A_60 : memref<10240x128xf32, #tpu.memory_space<hbm>>) target(%arg10 : memref<80x128xf32, #tpu.memory_space<vmem>>) offsets(%dma_start3A_57 : memref<80xi32, #tpu.memory_space<vmem>>) semaphore(%arg13 : memref<!tpu.dma_semaphore, #tpu.memory_space<semaphore_mem>>)
      } else {
      }
    }
    %scan3A_20 = arith.constant 64 : i32
    %barrier3A_21 = arith.constant 0 : index
    tpu.barrier barrier_id(%barrier3A_21)
    "tpu.region"() ({
      %run_scoped3A = tpu.sem_alloc : memref<!tpu.dma_semaphore, #tpu.memory_space<semaphore_mem>>
      %dma_start3A_22 = arith.constant 0 : i32
      %dma_start3A_23 = tpu.memref_slice %arg6[%arg0, %mul3A_2, %dma_start3A_22] : memref<2x10240x128xf32, #tpu.memory_space<hbm>> -> memref<1x640x128xf32, #tpu.memory_space<hbm>>
      %dma_start3A_24 = tpu.memref_squeeze %dma_start3A_23 : memref<1x640x128xf32, #tpu.memory_space<hbm>> -> memref<640x128xf32, #tpu.memory_space<hbm>>
      %dma_start3A_25 = arith.constant 0 : i32
      %dma_start3A_26 = tpu.memref_slice %arg11[%mul3A_2, %dma_start3A_25] : memref<10240x128xf32, #tpu.memory_space<vmem_shared>> -> memref<640x128xf32, #tpu.memory_space<vmem_shared>>
      tpu.enqueue_dma source(%dma_start3A_26 : memref<640x128xf32, #tpu.memory_space<vmem_shared>>) target(%dma_start3A_24 : memref<640x128xf32, #tpu.memory_space<hbm>>) target_semaphore(%run_scoped3A : memref<!tpu.dma_semaphore, #tpu.memory_space<semaphore_mem>>)
      %dma_wait3A = arith.constant 0 : i32
      %dma_wait3A_27 = tpu.memref_slice %arg6[%arg0, %mul3A_2, %dma_wait3A] : memref<2x10240x128xf32, #tpu.memory_space<hbm>> -> memref<1x640x128xf32, #tpu.memory_space<hbm>>
      %dma_wait3A_28 = tpu.memref_squeeze %dma_wait3A_27 : memref<1x640x128xf32, #tpu.memory_space<hbm>> -> memref<640x128xf32, #tpu.memory_space<hbm>>
      %dma_wait3A_29 = arith.constant 0 : i32
      %dma_wait3A_30 = tpu.memref_slice %arg11[%mul3A_2, %dma_wait3A_29] : memref<10240x128xf32, #tpu.memory_space<vmem_shared>> -> memref<640x128xf32, #tpu.memory_space<vmem_shared>>
      tpu.wait_dma2 semaphore(%run_scoped3A : memref<!tpu.dma_semaphore, #tpu.memory_space<semaphore_mem>>) src(%dma_wait3A_30 : memref<640x128xf32, #tpu.memory_space<vmem_shared>>) dst(%dma_wait3A_28 : memref<640x128xf32, #tpu.memory_space<hbm>>)
      tpu.yield
    }) : () -> ()
    return
  }
}

#map = affine_map<(d0, d1) -> (0, 0)>
#map1 = affine_map<(d0, d1) -> (0, 0, 0)>
module attributes {stable_mosaic.version = 14 : i64} {
  func.func @agg_kernel(%arg0: i32, %arg1: i32, %arg2: memref<10240x64xf32, #tpu.memory_space<hbm>>, %arg3: memref<32x80x128xi32, #tpu.memory_space<hbm>>, %arg4: memref<32x80x128xi32, #tpu.memory_space<hbm>>, %arg5: memref<10240x64xf32, #tpu.memory_space<hbm>>, %arg6: memref<2x10240x64xf32, #tpu.memory_space<hbm>>, %arg7: memref<80x128xi32, #tpu.memory_space<vmem>>, %arg8: memref<80x128xi32, #tpu.memory_space<vmem>>, %arg9: memref<128x64xf32, #tpu.memory_space<vmem>>, %arg10: memref<128x64xf32, #tpu.memory_space<vmem>>, %arg11: memref<10240x64xf32, #tpu.memory_space<vmem_shared>>, %arg12: memref<!tpu.dma_semaphore, #tpu.memory_space<semaphore_mem>>, %arg13: memref<!tpu.dma_semaphore, #tpu.memory_space<semaphore_mem>>) attributes {dimension_semantics = [#tpu.dimension_semantics<core_parallel>, #tpu.dimension_semantics<subcore_parallel>], iteration_bounds = array<i64: 2, 16>, scalar_prefetch = 0 : i64, scratch_operands = 7 : i64, tpu.core_type = #tpu.core_type<sc_vector_subcore>, window_params = [{transform_indices = #map}, {transform_indices = #map1}, {transform_indices = #map1}, {transform_indices = #map}, {transform_indices = #map1}]} {
    %mul3A = arith.constant 16 : i32
    %mul3A_0 = arith.muli %arg0, %mul3A : i32
    %add3A = arith.addi %mul3A_0, %arg1 : i32
    "tpu.region"() ({
      %run_scoped3A = tpu.sem_alloc : memref<!tpu.dma_semaphore, #tpu.memory_space<semaphore_mem>>
      %dma_start3A_22 = arith.constant 0 : i32
      %dma_start3A_23 = arith.constant 0 : i32
      %dma_start3A_24 = tpu.memref_slice %arg3[%add3A, %dma_start3A_22, %dma_start3A_23] : memref<32x80x128xi32, #tpu.memory_space<hbm>> -> memref<1x80x128xi32, #tpu.memory_space<hbm>>
      %dma_start3A_25 = tpu.memref_squeeze %dma_start3A_24 : memref<1x80x128xi32, #tpu.memory_space<hbm>> -> memref<80x128xi32, #tpu.memory_space<hbm>>
      %dma_start3A_26 = arith.constant 0 : i32
      %dma_start3A_27 = arith.constant 0 : i32
      %dma_start3A_28 = tpu.memref_slice %arg3[%add3A, %dma_start3A_26, %dma_start3A_27] : memref<32x80x128xi32, #tpu.memory_space<hbm>> -> memref<1x80x128xi32, #tpu.memory_space<hbm>>
      %dma_start3A_29 = tpu.memref_squeeze %dma_start3A_28 : memref<1x80x128xi32, #tpu.memory_space<hbm>> -> memref<80x128xi32, #tpu.memory_space<hbm>>
      tpu.enqueue_dma source(%dma_start3A_29 : memref<80x128xi32, #tpu.memory_space<hbm>>) target(%arg7 : memref<80x128xi32, #tpu.memory_space<vmem>>) target_semaphore(%run_scoped3A : memref<!tpu.dma_semaphore, #tpu.memory_space<semaphore_mem>>)
      %dma_wait3A = arith.constant 0 : i32
      %dma_wait3A_30 = arith.constant 0 : i32
      %dma_wait3A_31 = tpu.memref_slice %arg3[%add3A, %dma_wait3A, %dma_wait3A_30] : memref<32x80x128xi32, #tpu.memory_space<hbm>> -> memref<1x80x128xi32, #tpu.memory_space<hbm>>
      %dma_wait3A_32 = tpu.memref_squeeze %dma_wait3A_31 : memref<1x80x128xi32, #tpu.memory_space<hbm>> -> memref<80x128xi32, #tpu.memory_space<hbm>>
      %dma_wait3A_33 = arith.constant 0 : i32
      %dma_wait3A_34 = arith.constant 0 : i32
      %dma_wait3A_35 = tpu.memref_slice %arg3[%add3A, %dma_wait3A_33, %dma_wait3A_34] : memref<32x80x128xi32, #tpu.memory_space<hbm>> -> memref<1x80x128xi32, #tpu.memory_space<hbm>>
      %dma_wait3A_36 = tpu.memref_squeeze %dma_wait3A_35 : memref<1x80x128xi32, #tpu.memory_space<hbm>> -> memref<80x128xi32, #tpu.memory_space<hbm>>
      tpu.wait_dma2 semaphore(%run_scoped3A : memref<!tpu.dma_semaphore, #tpu.memory_space<semaphore_mem>>) src(%dma_wait3A_36 : memref<80x128xi32, #tpu.memory_space<hbm>>) dst(%arg7 : memref<80x128xi32, #tpu.memory_space<vmem>>)
      tpu.yield
    }) : () -> ()
    "tpu.region"() ({
      %run_scoped3A = tpu.sem_alloc : memref<!tpu.dma_semaphore, #tpu.memory_space<semaphore_mem>>
      %dma_start3A_22 = arith.constant 0 : i32
      %dma_start3A_23 = arith.constant 0 : i32
      %dma_start3A_24 = tpu.memref_slice %arg4[%add3A, %dma_start3A_22, %dma_start3A_23] : memref<32x80x128xi32, #tpu.memory_space<hbm>> -> memref<1x80x128xi32, #tpu.memory_space<hbm>>
      %dma_start3A_25 = tpu.memref_squeeze %dma_start3A_24 : memref<1x80x128xi32, #tpu.memory_space<hbm>> -> memref<80x128xi32, #tpu.memory_space<hbm>>
      %dma_start3A_26 = arith.constant 0 : i32
      %dma_start3A_27 = arith.constant 0 : i32
      %dma_start3A_28 = tpu.memref_slice %arg4[%add3A, %dma_start3A_26, %dma_start3A_27] : memref<32x80x128xi32, #tpu.memory_space<hbm>> -> memref<1x80x128xi32, #tpu.memory_space<hbm>>
      %dma_start3A_29 = tpu.memref_squeeze %dma_start3A_28 : memref<1x80x128xi32, #tpu.memory_space<hbm>> -> memref<80x128xi32, #tpu.memory_space<hbm>>
      tpu.enqueue_dma source(%dma_start3A_29 : memref<80x128xi32, #tpu.memory_space<hbm>>) target(%arg8 : memref<80x128xi32, #tpu.memory_space<vmem>>) target_semaphore(%run_scoped3A : memref<!tpu.dma_semaphore, #tpu.memory_space<semaphore_mem>>)
      %dma_wait3A = arith.constant 0 : i32
      %dma_wait3A_30 = arith.constant 0 : i32
      %dma_wait3A_31 = tpu.memref_slice %arg4[%add3A, %dma_wait3A, %dma_wait3A_30] : memref<32x80x128xi32, #tpu.memory_space<hbm>> -> memref<1x80x128xi32, #tpu.memory_space<hbm>>
      %dma_wait3A_32 = tpu.memref_squeeze %dma_wait3A_31 : memref<1x80x128xi32, #tpu.memory_space<hbm>> -> memref<80x128xi32, #tpu.memory_space<hbm>>
      %dma_wait3A_33 = arith.constant 0 : i32
      %dma_wait3A_34 = arith.constant 0 : i32
      %dma_wait3A_35 = tpu.memref_slice %arg4[%add3A, %dma_wait3A_33, %dma_wait3A_34] : memref<32x80x128xi32, #tpu.memory_space<hbm>> -> memref<1x80x128xi32, #tpu.memory_space<hbm>>
      %dma_wait3A_36 = tpu.memref_squeeze %dma_wait3A_35 : memref<1x80x128xi32, #tpu.memory_space<hbm>> -> memref<80x128xi32, #tpu.memory_space<hbm>>
      tpu.wait_dma2 semaphore(%run_scoped3A : memref<!tpu.dma_semaphore, #tpu.memory_space<semaphore_mem>>) src(%dma_wait3A_36 : memref<80x128xi32, #tpu.memory_space<hbm>>) dst(%arg8 : memref<80x128xi32, #tpu.memory_space<vmem>>)
      tpu.yield
    }) : () -> ()
    %mul3A_1 = arith.constant 640 : i32
    %mul3A_2 = arith.muli %arg1, %mul3A_1 : i32
    "tpu.region"() ({
      %run_scoped3A = tpu.sem_alloc : memref<!tpu.dma_semaphore, #tpu.memory_space<semaphore_mem>>
      %dma_start3A_22 = arith.constant 0 : i32
      %dma_start3A_23 = tpu.memref_slice %arg11[%mul3A_2, %dma_start3A_22] : memref<10240x64xf32, #tpu.memory_space<vmem_shared>> -> memref<640x64xf32, #tpu.memory_space<vmem_shared>>
      %dma_start3A_24 = arith.constant 0 : i32
      %dma_start3A_25 = tpu.memref_slice %arg5[%mul3A_2, %dma_start3A_24] : memref<10240x64xf32, #tpu.memory_space<hbm>> -> memref<640x64xf32, #tpu.memory_space<hbm>>
      tpu.enqueue_dma source(%dma_start3A_25 : memref<640x64xf32, #tpu.memory_space<hbm>>) target(%dma_start3A_23 : memref<640x64xf32, #tpu.memory_space<vmem_shared>>) target_semaphore(%run_scoped3A : memref<!tpu.dma_semaphore, #tpu.memory_space<semaphore_mem>>)
      %dma_wait3A = arith.constant 0 : i32
      %dma_wait3A_26 = tpu.memref_slice %arg11[%mul3A_2, %dma_wait3A] : memref<10240x64xf32, #tpu.memory_space<vmem_shared>> -> memref<640x64xf32, #tpu.memory_space<vmem_shared>>
      %dma_wait3A_27 = arith.constant 0 : i32
      %dma_wait3A_28 = tpu.memref_slice %arg5[%mul3A_2, %dma_wait3A_27] : memref<10240x64xf32, #tpu.memory_space<hbm>> -> memref<640x64xf32, #tpu.memory_space<hbm>>
      tpu.wait_dma2 semaphore(%run_scoped3A : memref<!tpu.dma_semaphore, #tpu.memory_space<semaphore_mem>>) src(%dma_wait3A_28 : memref<640x64xf32, #tpu.memory_space<hbm>>) dst(%dma_wait3A_26 : memref<640x64xf32, #tpu.memory_space<vmem_shared>>)
      tpu.yield
    }) : () -> ()
    %barrier3A = arith.constant 0 : index
    tpu.barrier barrier_id(%barrier3A)
    %dma_start3A = arith.constant 0 : i32
    %dma_start3A_3 = arith.constant 0 : i32
    %dma_start3A_4 = tpu.memref_slice %arg7[%dma_start3A, %dma_start3A_3] : memref<80x128xi32, #tpu.memory_space<vmem>> -> memref<1x128xi32, #tpu.memory_space<vmem>>
    %dma_start3A_5 = tpu.memref_squeeze %dma_start3A_4 : memref<1x128xi32, #tpu.memory_space<vmem>> -> memref<128xi32, #tpu.memory_space<vmem>>
    %dma_start3A_6 = arith.constant 0 : i32
    %dma_start3A_7 = arith.constant 0 : i32
    %dma_start3A_8 = tpu.memref_slice %arg2[%dma_start3A_6, %dma_start3A_7] : memref<10240x64xf32, #tpu.memory_space<hbm>> -> memref<10240x64xf32, #tpu.memory_space<hbm>>
    tpu.enqueue_indirect_dma source(%dma_start3A_8 : memref<10240x64xf32, #tpu.memory_space<hbm>>) target(%arg9 : memref<128x64xf32, #tpu.memory_space<vmem>>) offsets(%dma_start3A_5 : memref<128xi32, #tpu.memory_space<vmem>>) semaphore(%arg12 : memref<!tpu.dma_semaphore, #tpu.memory_space<semaphore_mem>>)
    %dma_start3A_9 = arith.constant 1 : i32
    %dma_start3A_10 = arith.constant 0 : i32
    %dma_start3A_11 = tpu.memref_slice %arg7[%dma_start3A_9, %dma_start3A_10] : memref<80x128xi32, #tpu.memory_space<vmem>> -> memref<1x128xi32, #tpu.memory_space<vmem>>
    %dma_start3A_12 = tpu.memref_squeeze %dma_start3A_11 : memref<1x128xi32, #tpu.memory_space<vmem>> -> memref<128xi32, #tpu.memory_space<vmem>>
    %dma_start3A_13 = arith.constant 0 : i32
    %dma_start3A_14 = arith.constant 0 : i32
    %dma_start3A_15 = tpu.memref_slice %arg2[%dma_start3A_13, %dma_start3A_14] : memref<10240x64xf32, #tpu.memory_space<hbm>> -> memref<10240x64xf32, #tpu.memory_space<hbm>>
    tpu.enqueue_indirect_dma source(%dma_start3A_15 : memref<10240x64xf32, #tpu.memory_space<hbm>>) target(%arg10 : memref<128x64xf32, #tpu.memory_space<vmem>>) offsets(%dma_start3A_12 : memref<128xi32, #tpu.memory_space<vmem>>) semaphore(%arg13 : memref<!tpu.dma_semaphore, #tpu.memory_space<semaphore_mem>>)
    %scan3A = arith.constant 0 : i32
    %scan3A_16 = arith.constant 0 : i32
    %scan3A_17 = arith.constant 40 : i32
    %scan3A_18 = arith.addi %scan3A_16, %scan3A_17 : i32
    %scan3A_19 = arith.constant 1 : i32
    scf.for %scan3A_22 = %scan3A_16 to %scan3A_18 step %scan3A_19  : i32 {
      %mul3A_23 = arith.constant 2 : i32
      %mul3A_24 = arith.muli %mul3A_23, %scan3A_22 : i32
      %add3A_25 = arith.constant 0 : i32
      %add3A_26 = arith.addi %mul3A_24, %add3A_25 : i32
      %dma_wait3A = arith.constant 0 : i32
      %dma_wait3A_27 = tpu.memref_slice %arg7[%add3A_26, %dma_wait3A] : memref<80x128xi32, #tpu.memory_space<vmem>> -> memref<1x128xi32, #tpu.memory_space<vmem>>
      %dma_wait3A_28 = tpu.memref_squeeze %dma_wait3A_27 : memref<1x128xi32, #tpu.memory_space<vmem>> -> memref<128xi32, #tpu.memory_space<vmem>>
      %dma_wait3A_29 = arith.constant 0 : i32
      %dma_wait3A_30 = arith.constant 0 : i32
      %dma_wait3A_31 = tpu.memref_slice %arg2[%dma_wait3A_29, %dma_wait3A_30] : memref<10240x64xf32, #tpu.memory_space<hbm>> -> memref<10240x64xf32, #tpu.memory_space<hbm>>
      tpu.wait_indirect_dma semaphore(%arg12 : memref<!tpu.dma_semaphore, #tpu.memory_space<semaphore_mem>>) src(%dma_wait3A_31 : memref<10240x64xf32, #tpu.memory_space<hbm>>) dst(%arg9 : memref<128x64xf32, #tpu.memory_space<vmem>>)
      "tpu.region"() ({
        %run_scoped3A = tpu.sem_alloc : memref<!tpu.dma_semaphore, #tpu.memory_space<semaphore_mem>>
        %dma_start3A_53 = arith.constant 0 : i32
        %dma_start3A_54 = tpu.memref_slice %arg8[%add3A_26, %dma_start3A_53] : memref<80x128xi32, #tpu.memory_space<vmem>> -> memref<1x128xi32, #tpu.memory_space<vmem>>
        %dma_start3A_55 = tpu.memref_squeeze %dma_start3A_54 : memref<1x128xi32, #tpu.memory_space<vmem>> -> memref<128xi32, #tpu.memory_space<vmem>>
        %dma_start3A_56 = arith.constant 0 : i32
        %dma_start3A_57 = arith.constant 0 : i32
        %dma_start3A_58 = tpu.memref_slice %arg11[%dma_start3A_56, %dma_start3A_57] : memref<10240x64xf32, #tpu.memory_space<vmem_shared>> -> memref<10240x64xf32, #tpu.memory_space<vmem_shared>>
        tpu.enqueue_indirect_dma source(%arg9 : memref<128x64xf32, #tpu.memory_space<vmem>>) target(%dma_start3A_58 : memref<10240x64xf32, #tpu.memory_space<vmem_shared>>) offsets(%dma_start3A_55 : memref<128xi32, #tpu.memory_space<vmem>>) semaphore(%run_scoped3A : memref<!tpu.dma_semaphore, #tpu.memory_space<semaphore_mem>>) {add = true}
        %dma_wait3A_59 = arith.constant 0 : i32
        %dma_wait3A_60 = tpu.memref_slice %arg8[%add3A_26, %dma_wait3A_59] : memref<80x128xi32, #tpu.memory_space<vmem>> -> memref<1x128xi32, #tpu.memory_space<vmem>>
        %dma_wait3A_61 = tpu.memref_squeeze %dma_wait3A_60 : memref<1x128xi32, #tpu.memory_space<vmem>> -> memref<128xi32, #tpu.memory_space<vmem>>
        %dma_wait3A_62 = arith.constant 0 : i32
        %dma_wait3A_63 = arith.constant 0 : i32
        %dma_wait3A_64 = tpu.memref_slice %arg11[%dma_wait3A_62, %dma_wait3A_63] : memref<10240x64xf32, #tpu.memory_space<vmem_shared>> -> memref<10240x64xf32, #tpu.memory_space<vmem_shared>>
        tpu.wait_indirect_dma semaphore(%run_scoped3A : memref<!tpu.dma_semaphore, #tpu.memory_space<semaphore_mem>>) src(%arg9 : memref<128x64xf32, #tpu.memory_space<vmem>>) dst(%dma_wait3A_64 : memref<10240x64xf32, #tpu.memory_space<vmem_shared>>)
        tpu.yield
      }) : () -> ()
      %add3A_32 = arith.constant 2 : i32
      %add3A_33 = arith.addi %add3A_26, %add3A_32 : i32
      %lt3A = arith.constant 80 : i32
      %lt3A_34 = arith.cmpi slt, %add3A_33, %lt3A : i32
      %convert_element_type3A = arith.extui %lt3A_34 : i1 to i32
      %cond3A = arith.constant 0 : i32
      %cond3A_35 = arith.cmpi ne, %convert_element_type3A, %cond3A : i32
      scf.if %cond3A_35 {
        %add3A_53 = arith.constant 2 : i32
        %add3A_54 = arith.addi %add3A_26, %add3A_53 : i32
        %dma_start3A_55 = arith.constant 0 : i32
        %dma_start3A_56 = tpu.memref_slice %arg7[%add3A_54, %dma_start3A_55] : memref<80x128xi32, #tpu.memory_space<vmem>> -> memref<1x128xi32, #tpu.memory_space<vmem>>
        %dma_start3A_57 = tpu.memref_squeeze %dma_start3A_56 : memref<1x128xi32, #tpu.memory_space<vmem>> -> memref<128xi32, #tpu.memory_space<vmem>>
        %dma_start3A_58 = arith.constant 0 : i32
        %dma_start3A_59 = arith.constant 0 : i32
        %dma_start3A_60 = tpu.memref_slice %arg2[%dma_start3A_58, %dma_start3A_59] : memref<10240x64xf32, #tpu.memory_space<hbm>> -> memref<10240x64xf32, #tpu.memory_space<hbm>>
        tpu.enqueue_indirect_dma source(%dma_start3A_60 : memref<10240x64xf32, #tpu.memory_space<hbm>>) target(%arg9 : memref<128x64xf32, #tpu.memory_space<vmem>>) offsets(%dma_start3A_57 : memref<128xi32, #tpu.memory_space<vmem>>) semaphore(%arg12 : memref<!tpu.dma_semaphore, #tpu.memory_space<semaphore_mem>>)
      } else {
      }
      %mul3A_36 = arith.constant 2 : i32
      %mul3A_37 = arith.muli %mul3A_36, %scan3A_22 : i32
      %add3A_38 = arith.constant 1 : i32
      %add3A_39 = arith.addi %mul3A_37, %add3A_38 : i32
      %dma_wait3A_40 = arith.constant 0 : i32
      %dma_wait3A_41 = tpu.memref_slice %arg7[%add3A_39, %dma_wait3A_40] : memref<80x128xi32, #tpu.memory_space<vmem>> -> memref<1x128xi32, #tpu.memory_space<vmem>>
      %dma_wait3A_42 = tpu.memref_squeeze %dma_wait3A_41 : memref<1x128xi32, #tpu.memory_space<vmem>> -> memref<128xi32, #tpu.memory_space<vmem>>
      %dma_wait3A_43 = arith.constant 0 : i32
      %dma_wait3A_44 = arith.constant 0 : i32
      %dma_wait3A_45 = tpu.memref_slice %arg2[%dma_wait3A_43, %dma_wait3A_44] : memref<10240x64xf32, #tpu.memory_space<hbm>> -> memref<10240x64xf32, #tpu.memory_space<hbm>>
      tpu.wait_indirect_dma semaphore(%arg13 : memref<!tpu.dma_semaphore, #tpu.memory_space<semaphore_mem>>) src(%dma_wait3A_45 : memref<10240x64xf32, #tpu.memory_space<hbm>>) dst(%arg10 : memref<128x64xf32, #tpu.memory_space<vmem>>)
      "tpu.region"() ({
        %run_scoped3A = tpu.sem_alloc : memref<!tpu.dma_semaphore, #tpu.memory_space<semaphore_mem>>
        %dma_start3A_53 = arith.constant 0 : i32
        %dma_start3A_54 = tpu.memref_slice %arg8[%add3A_39, %dma_start3A_53] : memref<80x128xi32, #tpu.memory_space<vmem>> -> memref<1x128xi32, #tpu.memory_space<vmem>>
        %dma_start3A_55 = tpu.memref_squeeze %dma_start3A_54 : memref<1x128xi32, #tpu.memory_space<vmem>> -> memref<128xi32, #tpu.memory_space<vmem>>
        %dma_start3A_56 = arith.constant 0 : i32
        %dma_start3A_57 = arith.constant 0 : i32
        %dma_start3A_58 = tpu.memref_slice %arg11[%dma_start3A_56, %dma_start3A_57] : memref<10240x64xf32, #tpu.memory_space<vmem_shared>> -> memref<10240x64xf32, #tpu.memory_space<vmem_shared>>
        tpu.enqueue_indirect_dma source(%arg10 : memref<128x64xf32, #tpu.memory_space<vmem>>) target(%dma_start3A_58 : memref<10240x64xf32, #tpu.memory_space<vmem_shared>>) offsets(%dma_start3A_55 : memref<128xi32, #tpu.memory_space<vmem>>) semaphore(%run_scoped3A : memref<!tpu.dma_semaphore, #tpu.memory_space<semaphore_mem>>) {add = true}
        %dma_wait3A_59 = arith.constant 0 : i32
        %dma_wait3A_60 = tpu.memref_slice %arg8[%add3A_39, %dma_wait3A_59] : memref<80x128xi32, #tpu.memory_space<vmem>> -> memref<1x128xi32, #tpu.memory_space<vmem>>
        %dma_wait3A_61 = tpu.memref_squeeze %dma_wait3A_60 : memref<1x128xi32, #tpu.memory_space<vmem>> -> memref<128xi32, #tpu.memory_space<vmem>>
        %dma_wait3A_62 = arith.constant 0 : i32
        %dma_wait3A_63 = arith.constant 0 : i32
        %dma_wait3A_64 = tpu.memref_slice %arg11[%dma_wait3A_62, %dma_wait3A_63] : memref<10240x64xf32, #tpu.memory_space<vmem_shared>> -> memref<10240x64xf32, #tpu.memory_space<vmem_shared>>
        tpu.wait_indirect_dma semaphore(%run_scoped3A : memref<!tpu.dma_semaphore, #tpu.memory_space<semaphore_mem>>) src(%arg10 : memref<128x64xf32, #tpu.memory_space<vmem>>) dst(%dma_wait3A_64 : memref<10240x64xf32, #tpu.memory_space<vmem_shared>>)
        tpu.yield
      }) : () -> ()
      %add3A_46 = arith.constant 2 : i32
      %add3A_47 = arith.addi %add3A_39, %add3A_46 : i32
      %lt3A_48 = arith.constant 80 : i32
      %lt3A_49 = arith.cmpi slt, %add3A_47, %lt3A_48 : i32
      %convert_element_type3A_50 = arith.extui %lt3A_49 : i1 to i32
      %cond3A_51 = arith.constant 0 : i32
      %cond3A_52 = arith.cmpi ne, %convert_element_type3A_50, %cond3A_51 : i32
      scf.if %cond3A_52 {
        %add3A_53 = arith.constant 2 : i32
        %add3A_54 = arith.addi %add3A_39, %add3A_53 : i32
        %dma_start3A_55 = arith.constant 0 : i32
        %dma_start3A_56 = tpu.memref_slice %arg7[%add3A_54, %dma_start3A_55] : memref<80x128xi32, #tpu.memory_space<vmem>> -> memref<1x128xi32, #tpu.memory_space<vmem>>
        %dma_start3A_57 = tpu.memref_squeeze %dma_start3A_56 : memref<1x128xi32, #tpu.memory_space<vmem>> -> memref<128xi32, #tpu.memory_space<vmem>>
        %dma_start3A_58 = arith.constant 0 : i32
        %dma_start3A_59 = arith.constant 0 : i32
        %dma_start3A_60 = tpu.memref_slice %arg2[%dma_start3A_58, %dma_start3A_59] : memref<10240x64xf32, #tpu.memory_space<hbm>> -> memref<10240x64xf32, #tpu.memory_space<hbm>>
        tpu.enqueue_indirect_dma source(%dma_start3A_60 : memref<10240x64xf32, #tpu.memory_space<hbm>>) target(%arg10 : memref<128x64xf32, #tpu.memory_space<vmem>>) offsets(%dma_start3A_57 : memref<128xi32, #tpu.memory_space<vmem>>) semaphore(%arg13 : memref<!tpu.dma_semaphore, #tpu.memory_space<semaphore_mem>>)
      } else {
      }
    }
    %scan3A_20 = arith.constant 40 : i32
    %barrier3A_21 = arith.constant 0 : index
    tpu.barrier barrier_id(%barrier3A_21)
    "tpu.region"() ({
      %run_scoped3A = tpu.sem_alloc : memref<!tpu.dma_semaphore, #tpu.memory_space<semaphore_mem>>
      %dma_start3A_22 = arith.constant 0 : i32
      %dma_start3A_23 = tpu.memref_slice %arg6[%arg0, %mul3A_2, %dma_start3A_22] : memref<2x10240x64xf32, #tpu.memory_space<hbm>> -> memref<1x640x64xf32, #tpu.memory_space<hbm>>
      %dma_start3A_24 = tpu.memref_squeeze %dma_start3A_23 : memref<1x640x64xf32, #tpu.memory_space<hbm>> -> memref<640x64xf32, #tpu.memory_space<hbm>>
      %dma_start3A_25 = arith.constant 0 : i32
      %dma_start3A_26 = tpu.memref_slice %arg11[%mul3A_2, %dma_start3A_25] : memref<10240x64xf32, #tpu.memory_space<vmem_shared>> -> memref<640x64xf32, #tpu.memory_space<vmem_shared>>
      tpu.enqueue_dma source(%dma_start3A_26 : memref<640x64xf32, #tpu.memory_space<vmem_shared>>) target(%dma_start3A_24 : memref<640x64xf32, #tpu.memory_space<hbm>>) target_semaphore(%run_scoped3A : memref<!tpu.dma_semaphore, #tpu.memory_space<semaphore_mem>>)
      %dma_wait3A = arith.constant 0 : i32
      %dma_wait3A_27 = tpu.memref_slice %arg6[%arg0, %mul3A_2, %dma_wait3A] : memref<2x10240x64xf32, #tpu.memory_space<hbm>> -> memref<1x640x64xf32, #tpu.memory_space<hbm>>
      %dma_wait3A_28 = tpu.memref_squeeze %dma_wait3A_27 : memref<1x640x64xf32, #tpu.memory_space<hbm>> -> memref<640x64xf32, #tpu.memory_space<hbm>>
      %dma_wait3A_29 = arith.constant 0 : i32
      %dma_wait3A_30 = tpu.memref_slice %arg11[%mul3A_2, %dma_wait3A_29] : memref<10240x64xf32, #tpu.memory_space<vmem_shared>> -> memref<640x64xf32, #tpu.memory_space<vmem_shared>>
      tpu.wait_dma2 semaphore(%run_scoped3A : memref<!tpu.dma_semaphore, #tpu.memory_space<semaphore_mem>>) src(%dma_wait3A_30 : memref<640x64xf32, #tpu.memory_space<vmem_shared>>) dst(%dma_wait3A_28 : memref<640x64xf32, #tpu.memory_space<hbm>>)
      tpu.yield
    }) : () -> ()
    return
  }
}

module attributes {stable_mosaic.version = 14 : i64} {
  func.func @_tc1_body(%arg0: memref<10240x128xf32, #tpu.memory_space<vmem>>, %arg1: memref<10240x16xf32, #tpu.memory_space<vmem>>, %arg2: memref<10240x16xf32, #tpu.memory_space<vmem>>, %arg3: memref<128x64xf32, #tpu.memory_space<vmem>>, %arg4: memref<10240x64xf32, #tpu.memory_space<vmem>>, %arg5: memref<10240x16xf32, #tpu.memory_space<vmem>>) attributes {dimension_semantics = [], scalar_prefetch = 0 : i64, scratch_operands = 0 : i64, tpu.core_type = #tpu.core_type<tc>} {
    %get3A = arith.constant 0 : index
    %get3A_0 = arith.constant 0 : index
    %get3A_1 = vector.load %arg1[%get3A, %get3A_0] : memref<10240x16xf32, #tpu.memory_space<vmem>>, vector<10240x1xf32>
    %get3A_2 = arith.constant 0 : index
    %get3A_3 = arith.constant 0 : index
    %get3A_4 = vector.load %arg2[%get3A_2, %get3A_3] : memref<10240x16xf32, #tpu.memory_space<vmem>>, vector<10240x1xf32>
    %add3A = arith.addf %get3A_1, %get3A_4 : vector<10240x1xf32>
    %add3A_5 = arith.constant 1.000000e+00 : f32
    %add3A_6 = vector.broadcast %add3A_5 : f32 to vector<10240x1xf32>
    %add3A_7 = arith.addf %add3A, %add3A_6 : vector<10240x1xf32>
    %rsqrt3A = math.rsqrt %add3A_7 : vector<10240x1xf32>
    %get3A_8 = arith.constant 0 : index
    %get3A_9 = arith.constant 0 : index
    %get3A_10 = vector.load %arg0[%get3A_8, %get3A_9] : memref<10240x128xf32, #tpu.memory_space<vmem>>, vector<10240x128xf32>
    %get3A_11 = arith.constant 0 : index
    %get3A_12 = arith.constant 0 : index
    %get3A_13 = vector.load %arg3[%get3A_11, %get3A_12] : memref<128x64xf32, #tpu.memory_space<vmem>>, vector<128x64xf32>
    %dot_general3A = arith.constant dense<0.000000e+00> : vector<10240x64xf32>
    %dot_general3A_14 = tpu.matmul %get3A_10, %get3A_13, %dot_general3A {dimension_numbers = #tpu.dot_dimension_numbers<[1], [0], [0], [1], [0, 0, 1, 1], [], []>, transpose_lhs_hint = false} : vector<10240x128xf32>, vector<128x64xf32>, vector<10240x64xf32> -> vector<10240x64xf32>
    %mul3A = vector.broadcast %rsqrt3A : vector<10240x1xf32> to vector<10240x64xf32>
    %mul3A_15 = arith.mulf %dot_general3A_14, %mul3A : vector<10240x64xf32>
    %swap3A = arith.constant 0 : index
    %swap3A_16 = arith.constant 0 : index
    %swap3A_17 = vector.load %arg4[%swap3A, %swap3A_16] : memref<10240x64xf32, #tpu.memory_space<vmem>>, vector<10240x64xf32>
    tpu.vector_store %arg4[%swap3A, %swap3A_16], %mul3A_15 {strides = array<i32>} : memref<10240x64xf32, #tpu.memory_space<vmem>>, vector<10240x64xf32>,
    %broadcast_in_dim3A = vector.shape_cast %rsqrt3A : vector<10240x1xf32> to vector<10240x1xf32>
    %broadcast_in_dim3A_18 = vector.broadcast %broadcast_in_dim3A : vector<10240x1xf32> to vector<10240x16xf32>
    %swap3A_19 = arith.constant 0 : index
    %swap3A_20 = arith.constant 0 : index
    %swap3A_21 = vector.load %arg5[%swap3A_19, %swap3A_20] : memref<10240x16xf32, #tpu.memory_space<vmem>>, vector<10240x16xf32>
    tpu.vector_store %arg5[%swap3A_19, %swap3A_20], %broadcast_in_dim3A_18 {strides = array<i32>} : memref<10240x16xf32, #tpu.memory_space<vmem>>, vector<10240x16xf32>,
    return
  }
}

module attributes {stable_mosaic.version = 14 : i64} {
  func.func @_layer_body(%arg0: memref<10240x64xf32, #tpu.memory_space<vmem>>, %arg1: memref<10240x64xf32, #tpu.memory_space<vmem>>, %arg2: memref<10240x64xf32, #tpu.memory_space<vmem>>, %arg3: memref<10240x16xf32, #tpu.memory_space<vmem>>, %arg4: memref<1x64xf32, #tpu.memory_space<vmem>>, %arg5: memref<1x64xf32, #tpu.memory_space<vmem>>, %arg6: memref<1x64xf32, #tpu.memory_space<vmem>>, %arg7: memref<64x128xf32, #tpu.memory_space<vmem>>, %arg8: memref<10240x128xf32, #tpu.memory_space<vmem>>) attributes {dimension_semantics = [], scalar_prefetch = 0 : i64, scratch_operands = 0 : i64, tpu.core_type = #tpu.core_type<tc>} {
    %get3A = arith.constant 0 : index
    %get3A_0 = arith.constant 0 : index
    %get3A_1 = vector.load %arg0[%get3A, %get3A_0] : memref<10240x64xf32, #tpu.memory_space<vmem>>, vector<10240x64xf32>
    %get3A_2 = arith.constant 0 : index
    %get3A_3 = arith.constant 0 : index
    %get3A_4 = vector.load %arg1[%get3A_2, %get3A_3] : memref<10240x64xf32, #tpu.memory_space<vmem>>, vector<10240x64xf32>
    %add3A = arith.addf %get3A_1, %get3A_4 : vector<10240x64xf32>
    %get3A_5 = arith.constant 0 : index
    %get3A_6 = arith.constant 0 : index
    %get3A_7 = vector.load %arg2[%get3A_5, %get3A_6] : memref<10240x64xf32, #tpu.memory_space<vmem>>, vector<10240x64xf32>
    %add3A_8 = arith.addf %add3A, %get3A_7 : vector<10240x64xf32>
    %get3A_9 = arith.constant 0 : index
    %get3A_10 = arith.constant 0 : index
    %get3A_11 = vector.load %arg3[%get3A_9, %get3A_10] : memref<10240x16xf32, #tpu.memory_space<vmem>>, vector<10240x1xf32>
    %mul3A = vector.broadcast %get3A_11 : vector<10240x1xf32> to vector<10240x64xf32>
    %mul3A_12 = arith.mulf %add3A_8, %mul3A : vector<10240x64xf32>
    %get3A_13 = arith.constant 0 : index
    %get3A_14 = arith.constant 0 : index
    %get3A_15 = vector.load %arg4[%get3A_13, %get3A_14] : memref<1x64xf32, #tpu.memory_space<vmem>>, vector<1x64xf32>
    %add3A_16 = vector.broadcast %get3A_15 : vector<1x64xf32> to vector<10240x64xf32>
    %add3A_17 = arith.addf %mul3A_12, %add3A_16 : vector<10240x64xf32>
    %iota3A = tpu.iota {dimensions = array<i32: 0>} : vector<10240x64xi32>
    %lt3A = arith.constant 10000 : i32
    %lt3A_18 = vector.broadcast %lt3A : i32 to vector<10240x64xi32>
    %lt3A_19 = arith.cmpi slt, %iota3A, %lt3A_18 : vector<10240x64xi32>
    %convert_element_type3A = arith.extui %lt3A_19 : vector<10240x64xi1> to vector<10240x64xi32>
    %convert_element_type3A_20 = arith.sitofp %convert_element_type3A : vector<10240x64xi32> to vector<10240x64xf32>
    %mul3A_21 = arith.mulf %add3A_17, %convert_element_type3A_20 : vector<10240x64xf32>
    %reduce_sum3A = arith.constant dense<0.000000e+00> : vector<64xf32>
    %reduce_sum3A_22 = vector.multi_reduction <add>, %mul3A_21, %reduce_sum3A [0] : vector<10240x64xf32> to vector<64xf32>
    %broadcast_in_dim3A = vector.shape_cast %reduce_sum3A_22 : vector<64xf32> to vector<1x64xf32>
    %div3A = arith.constant 1.000000e+04 : f32
    %div3A_23 = vector.broadcast %div3A : f32 to vector<1x64xf32>
    %div3A_24 = arith.divf %broadcast_in_dim3A, %div3A_23 : vector<1x64xf32>
    %mul3A_25 = arith.mulf %mul3A_21, %mul3A_21 : vector<10240x64xf32>
    %reduce_sum3A_26 = arith.constant dense<0.000000e+00> : vector<64xf32>
    %reduce_sum3A_27 = vector.multi_reduction <add>, %mul3A_25, %reduce_sum3A_26 [0] : vector<10240x64xf32> to vector<64xf32>
    %broadcast_in_dim3A_28 = vector.shape_cast %reduce_sum3A_27 : vector<64xf32> to vector<1x64xf32>
    %div3A_29 = arith.constant 1.000000e+04 : f32
    %div3A_30 = vector.broadcast %div3A_29 : f32 to vector<1x64xf32>
    %div3A_31 = arith.divf %broadcast_in_dim3A_28, %div3A_30 : vector<1x64xf32>
    %mul3A_32 = arith.mulf %div3A_24, %div3A_24 : vector<1x64xf32>
    %sub3A = arith.subf %div3A_31, %mul3A_32 : vector<1x64xf32>
    %sub3A_33 = vector.broadcast %div3A_24 : vector<1x64xf32> to vector<10240x64xf32>
    %sub3A_34 = arith.subf %add3A_17, %sub3A_33 : vector<10240x64xf32>
    %add3A_35 = arith.constant 9.99999974E-6 : f32
    %add3A_36 = vector.broadcast %add3A_35 : f32 to vector<1x64xf32>
    %add3A_37 = arith.addf %sub3A, %add3A_36 : vector<1x64xf32>
    %rsqrt3A = math.rsqrt %add3A_37 : vector<1x64xf32>
    %mul3A_38 = vector.broadcast %rsqrt3A : vector<1x64xf32> to vector<10240x64xf32>
    %mul3A_39 = arith.mulf %sub3A_34, %mul3A_38 : vector<10240x64xf32>
    %get3A_40 = arith.constant 0 : index
    %get3A_41 = arith.constant 0 : index
    %get3A_42 = vector.load %arg5[%get3A_40, %get3A_41] : memref<1x64xf32, #tpu.memory_space<vmem>>, vector<1x64xf32>
    %mul3A_43 = vector.broadcast %get3A_42 : vector<1x64xf32> to vector<10240x64xf32>
    %mul3A_44 = arith.mulf %mul3A_39, %mul3A_43 : vector<10240x64xf32>
    %get3A_45 = arith.constant 0 : index
    %get3A_46 = arith.constant 0 : index
    %get3A_47 = vector.load %arg6[%get3A_45, %get3A_46] : memref<1x64xf32, #tpu.memory_space<vmem>>, vector<1x64xf32>
    %add3A_48 = vector.broadcast %get3A_47 : vector<1x64xf32> to vector<10240x64xf32>
    %add3A_49 = arith.addf %mul3A_44, %add3A_48 : vector<10240x64xf32>
    %max3A = arith.constant 0.000000e+00 : f32
    %max3A_50 = vector.broadcast %max3A : f32 to vector<10240x64xf32>
    %max3A_51 = arith.maximumf %add3A_49, %max3A_50 : vector<10240x64xf32>
    %get3A_52 = arith.constant 0 : index
    %get3A_53 = arith.constant 0 : index
    %get3A_54 = vector.load %arg7[%get3A_52, %get3A_53] : memref<64x128xf32, #tpu.memory_space<vmem>>, vector<64x128xf32>
    %dot_general3A = arith.constant dense<0.000000e+00> : vector<10240x128xf32>
    %dot_general3A_55 = tpu.matmul %max3A_51, %get3A_54, %dot_general3A {dimension_numbers = #tpu.dot_dimension_numbers<[1], [0], [0], [1], [0, 0, 1, 1], [], []>, transpose_lhs_hint = false} : vector<10240x64xf32>, vector<64x128xf32>, vector<10240x128xf32> -> vector<10240x128xf32>
    %get3A_56 = arith.constant 0 : index
    %get3A_57 = arith.constant 0 : index
    %get3A_58 = vector.load %arg3[%get3A_56, %get3A_57] : memref<10240x16xf32, #tpu.memory_space<vmem>>, vector<10240x1xf32>
    %mul3A_59 = vector.broadcast %get3A_58 : vector<10240x1xf32> to vector<10240x128xf32>
    %mul3A_60 = arith.mulf %dot_general3A_55, %mul3A_59 : vector<10240x128xf32>
    %iota3A_61 = tpu.iota {dimensions = array<i32: 0>} : vector<10240x128xi32>
    %lt3A_62 = arith.constant 10000 : i32
    %lt3A_63 = vector.broadcast %lt3A_62 : i32 to vector<10240x128xi32>
    %lt3A_64 = arith.cmpi slt, %iota3A_61, %lt3A_63 : vector<10240x128xi32>
    %convert_element_type3A_65 = arith.extui %lt3A_64 : vector<10240x128xi1> to vector<10240x128xi32>
    %convert_element_type3A_66 = arith.sitofp %convert_element_type3A_65 : vector<10240x128xi32> to vector<10240x128xf32>
    %mul3A_67 = arith.mulf %mul3A_60, %convert_element_type3A_66 : vector<10240x128xf32>
    %swap3A = arith.constant 0 : index
    %swap3A_68 = arith.constant 0 : index
    %swap3A_69 = vector.load %arg8[%swap3A, %swap3A_68] : memref<10240x128xf32, #tpu.memory_space<vmem>>, vector<10240x128xf32>
    tpu.vector_store %arg8[%swap3A, %swap3A_68], %mul3A_67 {strides = array<i32>} : memref<10240x128xf32, #tpu.memory_space<vmem>>, vector<10240x128xf32>,
    return
  }
}

module attributes {stable_mosaic.version = 14 : i64} {
  func.func @_layer_body(%arg0: memref<10240x128xf32, #tpu.memory_space<vmem>>, %arg1: memref<10240x128xf32, #tpu.memory_space<vmem>>, %arg2: memref<10240x128xf32, #tpu.memory_space<vmem>>, %arg3: memref<10240x16xf32, #tpu.memory_space<vmem>>, %arg4: memref<1x128xf32, #tpu.memory_space<vmem>>, %arg5: memref<1x128xf32, #tpu.memory_space<vmem>>, %arg6: memref<1x128xf32, #tpu.memory_space<vmem>>, %arg7: memref<128x16xf32, #tpu.memory_space<vmem>>, %arg8: memref<10240x16xf32, #tpu.memory_space<vmem>>) attributes {dimension_semantics = [], scalar_prefetch = 0 : i64, scratch_operands = 0 : i64, tpu.core_type = #tpu.core_type<tc>} {
    %get3A = arith.constant 0 : index
    %get3A_0 = arith.constant 0 : index
    %get3A_1 = vector.load %arg0[%get3A, %get3A_0] : memref<10240x128xf32, #tpu.memory_space<vmem>>, vector<10240x128xf32>
    %get3A_2 = arith.constant 0 : index
    %get3A_3 = arith.constant 0 : index
    %get3A_4 = vector.load %arg1[%get3A_2, %get3A_3] : memref<10240x128xf32, #tpu.memory_space<vmem>>, vector<10240x128xf32>
    %add3A = arith.addf %get3A_1, %get3A_4 : vector<10240x128xf32>
    %get3A_5 = arith.constant 0 : index
    %get3A_6 = arith.constant 0 : index
    %get3A_7 = vector.load %arg2[%get3A_5, %get3A_6] : memref<10240x128xf32, #tpu.memory_space<vmem>>, vector<10240x128xf32>
    %add3A_8 = arith.addf %add3A, %get3A_7 : vector<10240x128xf32>
    %get3A_9 = arith.constant 0 : index
    %get3A_10 = arith.constant 0 : index
    %get3A_11 = vector.load %arg3[%get3A_9, %get3A_10] : memref<10240x16xf32, #tpu.memory_space<vmem>>, vector<10240x1xf32>
    %mul3A = vector.broadcast %get3A_11 : vector<10240x1xf32> to vector<10240x128xf32>
    %mul3A_12 = arith.mulf %add3A_8, %mul3A : vector<10240x128xf32>
    %get3A_13 = arith.constant 0 : index
    %get3A_14 = arith.constant 0 : index
    %get3A_15 = vector.load %arg4[%get3A_13, %get3A_14] : memref<1x128xf32, #tpu.memory_space<vmem>>, vector<1x128xf32>
    %add3A_16 = vector.broadcast %get3A_15 : vector<1x128xf32> to vector<10240x128xf32>
    %add3A_17 = arith.addf %mul3A_12, %add3A_16 : vector<10240x128xf32>
    %iota3A = tpu.iota {dimensions = array<i32: 0>} : vector<10240x128xi32>
    %lt3A = arith.constant 10000 : i32
    %lt3A_18 = vector.broadcast %lt3A : i32 to vector<10240x128xi32>
    %lt3A_19 = arith.cmpi slt, %iota3A, %lt3A_18 : vector<10240x128xi32>
    %convert_element_type3A = arith.extui %lt3A_19 : vector<10240x128xi1> to vector<10240x128xi32>
    %convert_element_type3A_20 = arith.sitofp %convert_element_type3A : vector<10240x128xi32> to vector<10240x128xf32>
    %mul3A_21 = arith.mulf %add3A_17, %convert_element_type3A_20 : vector<10240x128xf32>
    %reduce_sum3A = arith.constant dense<0.000000e+00> : vector<128xf32>
    %reduce_sum3A_22 = vector.multi_reduction <add>, %mul3A_21, %reduce_sum3A [0] : vector<10240x128xf32> to vector<128xf32>
    %broadcast_in_dim3A = vector.shape_cast %reduce_sum3A_22 : vector<128xf32> to vector<1x128xf32>
    %div3A = arith.constant 1.000000e+04 : f32
    %div3A_23 = vector.broadcast %div3A : f32 to vector<1x128xf32>
    %div3A_24 = arith.divf %broadcast_in_dim3A, %div3A_23 : vector<1x128xf32>
    %mul3A_25 = arith.mulf %mul3A_21, %mul3A_21 : vector<10240x128xf32>
    %reduce_sum3A_26 = arith.constant dense<0.000000e+00> : vector<128xf32>
    %reduce_sum3A_27 = vector.multi_reduction <add>, %mul3A_25, %reduce_sum3A_26 [0] : vector<10240x128xf32> to vector<128xf32>
    %broadcast_in_dim3A_28 = vector.shape_cast %reduce_sum3A_27 : vector<128xf32> to vector<1x128xf32>
    %div3A_29 = arith.constant 1.000000e+04 : f32
    %div3A_30 = vector.broadcast %div3A_29 : f32 to vector<1x128xf32>
    %div3A_31 = arith.divf %broadcast_in_dim3A_28, %div3A_30 : vector<1x128xf32>
    %mul3A_32 = arith.mulf %div3A_24, %div3A_24 : vector<1x128xf32>
    %sub3A = arith.subf %div3A_31, %mul3A_32 : vector<1x128xf32>
    %sub3A_33 = vector.broadcast %div3A_24 : vector<1x128xf32> to vector<10240x128xf32>
    %sub3A_34 = arith.subf %add3A_17, %sub3A_33 : vector<10240x128xf32>
    %add3A_35 = arith.constant 9.99999974E-6 : f32
    %add3A_36 = vector.broadcast %add3A_35 : f32 to vector<1x128xf32>
    %add3A_37 = arith.addf %sub3A, %add3A_36 : vector<1x128xf32>
    %rsqrt3A = math.rsqrt %add3A_37 : vector<1x128xf32>
    %mul3A_38 = vector.broadcast %rsqrt3A : vector<1x128xf32> to vector<10240x128xf32>
    %mul3A_39 = arith.mulf %sub3A_34, %mul3A_38 : vector<10240x128xf32>
    %get3A_40 = arith.constant 0 : index
    %get3A_41 = arith.constant 0 : index
    %get3A_42 = vector.load %arg5[%get3A_40, %get3A_41] : memref<1x128xf32, #tpu.memory_space<vmem>>, vector<1x128xf32>
    %mul3A_43 = vector.broadcast %get3A_42 : vector<1x128xf32> to vector<10240x128xf32>
    %mul3A_44 = arith.mulf %mul3A_39, %mul3A_43 : vector<10240x128xf32>
    %get3A_45 = arith.constant 0 : index
    %get3A_46 = arith.constant 0 : index
    %get3A_47 = vector.load %arg6[%get3A_45, %get3A_46] : memref<1x128xf32, #tpu.memory_space<vmem>>, vector<1x128xf32>
    %add3A_48 = vector.broadcast %get3A_47 : vector<1x128xf32> to vector<10240x128xf32>
    %add3A_49 = arith.addf %mul3A_44, %add3A_48 : vector<10240x128xf32>
    %max3A = arith.constant 0.000000e+00 : f32
    %max3A_50 = vector.broadcast %max3A : f32 to vector<10240x128xf32>
    %max3A_51 = arith.maximumf %add3A_49, %max3A_50 : vector<10240x128xf32>
    %get3A_52 = arith.constant 0 : index
    %get3A_53 = arith.constant 0 : index
    %get3A_54 = vector.load %arg7[%get3A_52, %get3A_53] : memref<128x16xf32, #tpu.memory_space<vmem>>, vector<128x16xf32>
    %dot_general3A = arith.constant dense<0.000000e+00> : vector<10240x16xf32>
    %dot_general3A_55 = tpu.matmul %max3A_51, %get3A_54, %dot_general3A {dimension_numbers = #tpu.dot_dimension_numbers<[1], [0], [0], [1], [0, 0, 1, 1], [], []>, transpose_lhs_hint = false} : vector<10240x128xf32>, vector<128x16xf32>, vector<10240x16xf32> -> vector<10240x16xf32>
    %get3A_56 = arith.constant 0 : index
    %get3A_57 = arith.constant 0 : index
    %get3A_58 = vector.load %arg3[%get3A_56, %get3A_57] : memref<10240x16xf32, #tpu.memory_space<vmem>>, vector<10240x1xf32>
    %mul3A_59 = vector.broadcast %get3A_58 : vector<10240x1xf32> to vector<10240x16xf32>
    %mul3A_60 = arith.mulf %dot_general3A_55, %mul3A_59 : vector<10240x16xf32>
    %iota3A_61 = tpu.iota {dimensions = array<i32: 0>} : vector<10240x16xi32>
    %lt3A_62 = arith.constant 10000 : i32
    %lt3A_63 = vector.broadcast %lt3A_62 : i32 to vector<10240x16xi32>
    %lt3A_64 = arith.cmpi slt, %iota3A_61, %lt3A_63 : vector<10240x16xi32>
    %convert_element_type3A_65 = arith.extui %lt3A_64 : vector<10240x16xi1> to vector<10240x16xi32>
    %convert_element_type3A_66 = arith.sitofp %convert_element_type3A_65 : vector<10240x16xi32> to vector<10240x16xf32>
    %mul3A_67 = arith.mulf %mul3A_60, %convert_element_type3A_66 : vector<10240x16xf32>
    %swap3A = arith.constant 0 : index
    %swap3A_68 = arith.constant 0 : index
    %swap3A_69 = vector.load %arg8[%swap3A, %swap3A_68] : memref<10240x16xf32, #tpu.memory_space<vmem>>, vector<10240x16xf32>
    tpu.vector_store %arg8[%swap3A, %swap3A_68], %mul3A_67 {strides = array<i32>} : memref<10240x16xf32, #tpu.memory_space<vmem>>, vector<10240x16xf32>,
    return
  }
}

module attributes {stable_mosaic.version = 14 : i64} {
  func.func @_final_body(%arg0: memref<10240x16xf32, #tpu.memory_space<vmem>>, %arg1: memref<10240x16xf32, #tpu.memory_space<vmem>>, %arg2: memref<10240x16xf32, #tpu.memory_space<vmem>>, %arg3: memref<10240x16xf32, #tpu.memory_space<vmem>>, %arg4: memref<1x16xf32, #tpu.memory_space<vmem>>, %arg5: memref<1x10240xi32, #tpu.memory_space<vmem>>, %arg6: memref<64x16xf32, #tpu.memory_space<vmem>>) attributes {dimension_semantics = [], scalar_prefetch = 0 : i64, scratch_operands = 0 : i64, tpu.core_type = #tpu.core_type<tc>} {
    %get3A = arith.constant 0 : index
    %get3A_0 = arith.constant 0 : index
    %get3A_1 = vector.load %arg0[%get3A, %get3A_0] : memref<10240x16xf32, #tpu.memory_space<vmem>>, vector<10240x16xf32>
    %get3A_2 = arith.constant 0 : index
    %get3A_3 = arith.constant 0 : index
    %get3A_4 = vector.load %arg1[%get3A_2, %get3A_3] : memref<10240x16xf32, #tpu.memory_space<vmem>>, vector<10240x16xf32>
    %add3A = arith.addf %get3A_1, %get3A_4 : vector<10240x16xf32>
    %get3A_5 = arith.constant 0 : index
    %get3A_6 = arith.constant 0 : index
    %get3A_7 = vector.load %arg2[%get3A_5, %get3A_6] : memref<10240x16xf32, #tpu.memory_space<vmem>>, vector<10240x16xf32>
    %add3A_8 = arith.addf %add3A, %get3A_7 : vector<10240x16xf32>
    %get3A_9 = arith.constant 0 : index
    %get3A_10 = arith.constant 0 : index
    %get3A_11 = vector.load %arg3[%get3A_9, %get3A_10] : memref<10240x16xf32, #tpu.memory_space<vmem>>, vector<10240x1xf32>
    %mul3A = vector.broadcast %get3A_11 : vector<10240x1xf32> to vector<10240x16xf32>
    %mul3A_12 = arith.mulf %add3A_8, %mul3A : vector<10240x16xf32>
    %get3A_13 = arith.constant 0 : index
    %get3A_14 = arith.constant 0 : index
    %get3A_15 = vector.load %arg4[%get3A_13, %get3A_14] : memref<1x16xf32, #tpu.memory_space<vmem>>, vector<1x16xf32>
    %add3A_16 = vector.broadcast %get3A_15 : vector<1x16xf32> to vector<10240x16xf32>
    %add3A_17 = arith.addf %mul3A_12, %add3A_16 : vector<10240x16xf32>
    %iota3A = tpu.iota {dimensions = array<i32: 0>} : vector<10240x16xi32>
    %lt3A = arith.constant 10000 : i32
    %lt3A_18 = vector.broadcast %lt3A : i32 to vector<10240x16xi32>
    %lt3A_19 = arith.cmpi slt, %iota3A, %lt3A_18 : vector<10240x16xi32>
    %convert_element_type3A = arith.extui %lt3A_19 : vector<10240x16xi1> to vector<10240x16xi32>
    %convert_element_type3A_20 = arith.sitofp %convert_element_type3A : vector<10240x16xi32> to vector<10240x16xf32>
    %iota3A_21 = tpu.iota {dimensions = array<i32: 1>} : vector<10240x16xi32>
    %eq3A = arith.constant 15 : i32
    %eq3A_22 = vector.broadcast %eq3A : i32 to vector<10240x16xi32>
    %eq3A_23 = arith.cmpi eq, %iota3A_21, %eq3A_22 : vector<10240x16xi32>
    %convert_element_type3A_24 = arith.extui %eq3A_23 : vector<10240x16xi1> to vector<10240x16xi32>
    %convert_element_type3A_25 = arith.sitofp %convert_element_type3A_24 : vector<10240x16xi32> to vector<10240x16xf32>
    %add3A_26 = arith.addf %add3A_17, %convert_element_type3A_25 : vector<10240x16xf32>
    %mul3A_27 = arith.mulf %add3A_26, %convert_element_type3A_20 : vector<10240x16xf32>
    %iota3A_28 = tpu.iota {dimensions = array<i32: 0>} : vector<64x10240xi32>
    %get3A_29 = arith.constant 0 : index
    %get3A_30 = arith.constant 0 : index
    %get3A_31 = vector.load %arg5[%get3A_29, %get3A_30] : memref<1x10240xi32, #tpu.memory_space<vmem>>, vector<1x10240xi32>
    %eq3A_32 = vector.broadcast %get3A_31 : vector<1x10240xi32> to vector<64x10240xi32>
    %eq3A_33 = arith.cmpi eq, %iota3A_28, %eq3A_32 : vector<64x10240xi32>
    %convert_element_type3A_34 = arith.extui %eq3A_33 : vector<64x10240xi1> to vector<64x10240xi32>
    %convert_element_type3A_35 = arith.sitofp %convert_element_type3A_34 : vector<64x10240xi32> to vector<64x10240xf32>
    %dot_general3A = arith.constant dense<0.000000e+00> : vector<64x16xf32>
    %dot_general3A_36 = tpu.matmul %convert_element_type3A_35, %mul3A_27, %dot_general3A {dimension_numbers = #tpu.dot_dimension_numbers<[1], [0], [0], [1], [0, 0, 1, 1], [], []>, transpose_lhs_hint = false} : vector<64x10240xf32>, vector<10240x16xf32>, vector<64x16xf32> -> vector<64x16xf32>
    %slice3A = vector.extract_strided_slice %dot_general3A_36 {offsets = [0, 15], sizes = [64, 1], strides = [1, 1]} : vector<64x16xf32> to vector<64x1xf32>
    %max3A = arith.constant 1.000000e+00 : f32
    %max3A_37 = vector.broadcast %max3A : f32 to vector<64x1xf32>
    %max3A_38 = arith.maximumf %slice3A, %max3A_37 : vector<64x1xf32>
    %div3A = vector.broadcast %max3A_38 : vector<64x1xf32> to vector<64x16xf32>
    %div3A_39 = arith.divf %dot_general3A_36, %div3A : vector<64x16xf32>
    %iota3A_40 = tpu.iota {dimensions = array<i32: 1>} : vector<64x16xi32>
    %lt3A_41 = arith.constant 10 : i32
    %lt3A_42 = vector.broadcast %lt3A_41 : i32 to vector<64x16xi32>
    %lt3A_43 = arith.cmpi slt, %iota3A_40, %lt3A_42 : vector<64x16xi32>
    %jit3A = arith.constant 0xFF800000 : f32
    %broadcast_in_dim3A = vector.broadcast %jit3A : f32 to vector<64x16xf32>
    %select_n3A = arith.select %lt3A_43, %div3A_39, %broadcast_in_dim3A : vector<64x16xi1>, vector<64x16xf32>
    %reduce_max3A = arith.constant dense<0xFF800000> : vector<64xf32>
    %reduce_max3A_44 = vector.multi_reduction <maximumf>, %select_n3A, %reduce_max3A [1] : vector<64x16xf32> to vector<64xf32>
    %broadcast_in_dim3A_45 = vector.shape_cast %reduce_max3A_44 : vector<64xf32> to vector<64x1xf32>
    %sub3A = vector.broadcast %broadcast_in_dim3A_45 : vector<64x1xf32> to vector<64x16xf32>
    %sub3A_46 = arith.subf %select_n3A, %sub3A : vector<64x16xf32>
    %exp3A = math.exp %sub3A_46 : vector<64x16xf32>
    %reduce_sum3A = arith.constant dense<0.000000e+00> : vector<64xf32>
    %reduce_sum3A_47 = vector.multi_reduction <add>, %exp3A, %reduce_sum3A [1] : vector<64x16xf32> to vector<64xf32>
    %broadcast_in_dim3A_48 = vector.shape_cast %reduce_sum3A_47 : vector<64xf32> to vector<64x1xf32>
    %log3A = math.log %broadcast_in_dim3A_48 : vector<64x1xf32>
    %sub3A_49 = vector.broadcast %broadcast_in_dim3A_45 : vector<64x1xf32> to vector<64x16xf32>
    %sub3A_50 = arith.subf %select_n3A, %sub3A_49 : vector<64x16xf32>
    %sub3A_51 = vector.broadcast %log3A : vector<64x1xf32> to vector<64x16xf32>
    %sub3A_52 = arith.subf %sub3A_50, %sub3A_51 : vector<64x16xf32>
    %swap3A = arith.constant 0 : index
    %swap3A_53 = arith.constant 0 : index
    %swap3A_54 = vector.load %arg6[%swap3A, %swap3A_53] : memref<64x16xf32, #tpu.memory_space<vmem>>, vector<64x16xf32>
    tpu.vector_store %arg6[%swap3A, %swap3A_53], %sub3A_52 {strides = array<i32>} : memref<64x16xf32, #tpu.memory_space<vmem>>, vector<64x16xf32>,
    return
  }
}

</mosaic_0001>

<sc_bundles>
// kernel: kernel.10.cloned.1.call-start
scs
__scs_entry_jumppad:
0x0: {  	(pc) =	sbr.rel $0x88, $3  }
0x1: {  	(tag) =	ssettag $0x0;
	lr =	simm.s32 $0x1  }
0x2: {  	[smem:$0x3F94] =	sst lr;
	_ =	strace $0xD0000000  }
0x3: {  	_ = 	snop  }
0x4: {  	_ = 	snop  }
0x5: {  	_ = 	snop  }
0x6: {  	_ = 	snop  }
0x7: {  	_ = 	snop  }
__scs_overlays_trampoline_lowered:
0x8: {  	[smem:$0x3FA3] =	sst s0  }
0x9: {  	[smem:$0x3FA4] =	sst s1  }
0xa: {  	[smem:$0x3FA5] =	sst s2  }
0xb: {  	[smem:$0x3FA6] =	sst s3  }
0xc: {  	[smem:$0x3FA7] =	sst s4  }
0xd: {  	[smem:$0x3FA8] =	sst s5  }
0xe: {  	[smem:$0x3FA9] =	sst s6  }
0xf: {  	[smem:$0x3FAA] =	sst s7  }
0x10: {  	[smem:$0x3FAB] =	sst s8  }
0x11: {  	[smem:$0x3FAC] =	sst s9;
	s0 =	simm.s32 @!p0 $0x0  }
0x12: {  	s1 =	sld [smem:$0x3F92];
	s0 =	simm.s32 @p0 $0x1  }
0x13: {  	[smem:$0x3FAD] =	sst s0;
	s0 =	simm.s32 @!p1 $0x0  }
0x14: {  	s2 =	sld [smem:$0x3F91];
	s0 =	simm.s32 @p1 $0x1  }
0x15: {  	[smem:$0x3FAE] =	sst s0;
	s0 =	simm.s32 @!p2 $0x0  }
0x16: {  	s3 =	sld [smem:$0x3FDB];
	s0 =	simm.s32 @p2 $0x1  }
0x17: {  	s4 =	simm.s32 $0x1BF5;
	[smem:$0x3FB0] =	sst s0  }
0x18: {  	s0 =	sld [smem:$0x3F93];
	_ =	swait.ge [sflag:s4], $0x0  }
0x19: {  	s7 =	sld [smem:$0x3F94]  }
0x1a: {  	s8 =	sadd.s32 $0xFFFFE003, lr  }
0x1b: {  	s9 =	sadd.s32 $0xFFFFFEF7, lr;
	s5 =	simm.s32 $0xFFFFFFFF;
	p2 =	slt.u32 s8, $0xFFFFF086  }
0x1c: {  	p1 =	slt.u32 s9, $0xF7A;
	s5 =	simm.s32 @!p2 $0x0  }
0x1d: {  	s5 =	simm.s32 @p1 $0x1;
	p0 =	seq.s32 s7, s2  }
0x1e: {  	s7 =	smul.u32 @!p0 $0xF7A, s2;
	p2 =	seq.s32 @!p0 s5, $0x0  }
0x1f: {  	s9 =	smul.u32 $0xF7A, s1;
	s8 =	simm.s32 @!p0 $0x1BF5;
	p2 =	por !p2, p0  }
0x20: {  	[sflag:s8] =	ssyncset.s32 @!p0 $0xFFFFF086;
	s6 =	sadd.s32 @!p0 s3, s7;
	s7 =	simm.s32 @!p0 $0x108  }
0x21: {  	s3 =	sadd.s32 s3, s9;
	s6 =	sadd.s32 @!p0 $0x88, s6;
	s7 =	simm.s32 @p2 $0x1082  }
0x22: {  	[simem:s7], [sflag:s8] =	dma.local @!p0 [hbm:s6], $0xF7A  }
0x23: {  	s9 =	sor.u32 $0xD0000000, s2;
	s6 =	simm.s32 $0x108;
	_ =	swait.ge @!p0 [sflag:s8], $0x0  }
0x24: {  	s3 =	sadd.s32 $0x88, s3;
	s6 =	simm.s32 @!p1 $0x1082;
	[sflag:s4] =	ssyncset.s32 $0xFFFFF086  }
0x25: {  	[simem:s6], [sflag:s4] =	dma.local [hbm:s3], $0xF7A  }
0x26: {  	[smem:$0x3F94] =	sst s1;
	(tag) =	ssettag s2;
	_ =	strace s9  }
0x27: {  	s1 =	sld [smem:$0x3FA4]  }
0x28: {  	s2 =	sld [smem:$0x3FA5]  }
0x29: {  	s4 =	sld [smem:$0x3FA7]  }
0x2a: {  	p0 =	seq.s32 s5, $0x0;
	s5 =	sld [smem:$0x3FA8]  }
0x2b: {  	s6 =	sld [smem:$0x3FA9]  }
0x2c: {  	s7 =	sld [smem:$0x3FAA]  }
0x2d: {  	s3 =	simm.s32 $0x108;
	s8 =	sld [smem:$0x3FAB]  }
0x2e: {  	s3 =	simm.s32 @!p0 $0x1082;
	s9 =	sld [smem:$0x3FAC]  }
0x2f: {  	lr =	sadd.s32 s0, s3;
	s0 =	sld [smem:$0x3FA3]  }
0x30: {  	s3 =	sld [smem:$0x3FA6]  }
0x31: {  	[smem:$0x3FAF] =	sst s10  }
0x32: {  	s10 =	sld [smem:$0x3FAD];
	_ =	sdelay $0x3  }
0x33: {  	p0 =	seq.s32 s10, $0x1;
	s10 =	sld [smem:$0x3FAF];
	_ =	sdelay $0x3  }
0x34: {  	[smem:$0x3FAF] =	sst s10  }
0x35: {  	s10 =	sld [smem:$0x3FAE];
	_ =	sdelay $0x3  }
0x36: {  	p1 =	seq.s32 s10, $0x1;
	s10 =	sld [smem:$0x3FAF];
	_ =	sdelay $0x3  }
0x37: {  	[smem:$0x3FAF] =	sst s10  }
0x38: {  	s10 =	sld [smem:$0x3FB0]  }
0x39: {  	_ = 	snop;
	(pc) =	sbr.ind lr, $3  }
0x3a: {  	_ = 	snop  }
0x3b: {  	_ = 	snop  }
0x3c: {  	p2 =	seq.s32 s10, $0x1;
	s10 =	sld [smem:$0x3FAF]  }
0x3d: {  	_ =	shalt  }
0x3e: {  	_ =	shalt  }
0x3f: {  	_ =	shalt  }
0x40: {  	_ =	shalt  }
0x41: {  	_ =	shalt  }
0x42: {  	_ =	shalt  }
0x43: {  	_ =	shalt  }
0x44: {  	_ =	shalt  }
0x45: {  	_ =	shalt  }
0x46: {  	_ =	shalt  }
0x47: {  	_ =	shalt  }
0x48: {  	_ =	shalt  }
0x49: {  	_ =	shalt  }
0x4a: {  	_ =	shalt  }
0x4b: {  	_ =	shalt  }
0x4c: {  	_ =	shalt  }
0x4d: {  	_ =	shalt  }
0x4e: {  	_ =	shalt  }
0x4f: {  	_ =	shalt  }
0x50: {  	_ =	shalt  }
0x51: {  	_ =	shalt  }
0x52: {  	_ =	shalt  }
0x53: {  	_ =	shalt  }
0x54: {  	_ =	shalt  }
0x55: {  	_ =	shalt  }
0x56: {  	_ =	shalt  }
0x57: {  	_ =	shalt  }
0x58: {  	_ =	shalt  }
0x59: {  	_ =	shalt  }
0x5a: {  	_ =	shalt  }
0x5b: {  	_ =	shalt  }
0x5c: {  	_ =	shalt  }
0x5d: {  	_ =	shalt  }
0x5e: {  	_ =	shalt  }
0x5f: {  	_ =	shalt  }
0x60: {  	_ =	shalt  }
0x61: {  	_ =	shalt  }
0x62: {  	_ =	shalt  }
0x63: {  	_ =	shalt  }
0x64: {  	_ =	shalt  }
0x65: {  	_ =	shalt  }
0x66: {  	_ =	shalt  }
0x67: {  	_ =	shalt  }
0x68: {  	_ =	shalt  }
0x69: {  	_ =	shalt  }
0x6a: {  	_ =	shalt  }
0x6b: {  	_ =	shalt  }
0x6c: {  	_ =	shalt  }
0x6d: {  	_ =	shalt  }
0x6e: {  	_ =	shalt  }
0x6f: {  	_ =	shalt  }
0x70: {  	_ =	shalt  }
0x71: {  	_ =	shalt  }
0x72: {  	_ =	shalt  }
0x73: {  	_ =	shalt  }
0x74: {  	_ =	shalt  }
0x75: {  	_ =	shalt  }
0x76: {  	_ =	shalt  }
0x77: {  	_ =	shalt  }
0x78: {  	_ =	shalt  }
0x79: {  	_ =	shalt  }
0x7a: {  	_ =	shalt  }
0x7b: {  	_ =	shalt  }
0x7c: {  	_ =	shalt  }
0x7d: {  	_ =	shalt  }
0x7e: {  	_ =	shalt  }
0x7f: {  	_ =	shalt  }
0x80: {  	_ =	shalt  }
0x81: {  	_ =	shalt  }
0x82: {  	_ =	shalt  }
0x83: {  	_ =	shalt  }
0x84: {  	_ =	shalt  }
0x85: {  	_ =	shalt  }
0x86: {  	_ =	shalt  }
0x87: {  	_ =	shalt  }
.Lfunc_end0:
.L_simem_size_0:
called_computation_lowered:
.L_overlay_start_0:
0x88: {  	s2 =	sld [smem:$0x3FD9]  }
0x89: {  	s3 =	sld [smem:$0x3FFE];
	_ =	sdelay $0x1  }
0x8a: {  	s1 =	srdreg.scid  }
0x8b: {  	s0 =	sand.u32 $0x1, s1  }
0x8c: {  	s17 =	sshll.u32 s0, $0xA;
	s2 =	sadd.s32 s3, s2  }
0x8d: {  	s2 =	sadd.s32 s2, s17  }
0x8e: {  	[smem:$0x3FBB] =	sst s2  }
0x8f: {  	_ = 	snop  }
0x90: {  	s2 =	sld [smem:$0x3FD0];
	(tm) =	ssettm $0x1  }
0x91: {  	s18 =	sld [smem:$0x3FFB];
	_ =	sdelay $0x3  }
0x92: {  	_ =	strace s18  }
0x93: {  	s3 =	sld [smem:$0x3FFC];
	_ =	sdelay $0x3  }
0x94: {  	_ =	strace s3  }
0x95: {  	s3 =	sld [smem:$0x3FFD];
	_ =	sdelay $0x3  }
0x96: {  	_ =	strace s3  }
0x97: {  	_ =	strace $0x8FFFFFFF  }
0x98: {  	s19 =	sld [smem:$0x3FDB];
	_ =	sdelay $0x1  }
0x99: {  	s4 =	simm.s32 $_scs_section_size  }
0x9a: {  	s5 =	simm.s32 $_size__tile_overlayer_lowered;
	s6 =	simm.s32 $_tile_overlayer_lowered  }
0x9b: {  	s22 =	simm.s32 $0x1BFF;
	s21 =	sshll.u32 s6, $0x1;
	s3 =	sadd.s32 s4, s19  }
0x9c: {  	s7 =	simm.s32 $0x0;
	s20 =	sshll.u32 s5, $0x1;
	s5 =	sadd.s32 s21, s3  }
0x9d: {  	[timem:s7], [sflag:s22] =	dma.local [hbm:s5], s20  }
0x9e: {  	_ =	swait.ge [sflag:s22], s20  }
0x9f: {  	s4 =	ssub.s32 $0x0, s20;
	[sflag:s22] =	ssyncset.done $0x0  }
0xa0: {  	[sflag:s22] =	ssyncadd.s32 s4;
	_ =	sdelay $0x1  }
0xa1: {  	s23 =	simm.s32 $0x1B8B  }
0xa2: {  	_ =	swait.ge [sflag:s23], $0x1  }
0xa3: {  	[sflag:s23] =	ssyncset.done $0x0  }
0xa4: {  	s25 =	simm.s32 $0x1B8E;
	s24 =	sld [smem:$0x3FFE];
	[sflag:s23] =	ssyncadd.s32 $0xFFFFFFFF  }
0xa5: {  	s26 =	simm.s32 $execute0_lowered;
	[smem:$0x3FD2] =	sst s25  }
0xa6: {  	s5 =	sshll.u32 s26, $0x1;
	_ =	strace $0x80000046;
	[dreg:$0x1] =	wrdreg $0xFFFFFFFF  }
0xa7: {  	s28 =	simm.s32 $_size_execute0_lowered;
	s3 =	sadd.s32 s3, s5;
	[dreg:$0x0] =	wrdreg $0x0  }
0xa8: {  	s5 =	sshll.u32 s28, $0x1;
	[dreg:$0x2] =	wrdreg s3  }
0xa9: {  	[dreg:$0x3] =	wrdreg s5  }
0xaa: {  	[dreg:$0x4] =	wrdreg $0xC0  }
0xab: {  	_ =	task [dreg:s7], $0x5FFFF  }
0xac: {  	[dreg:$0x1] =	wrdreg $0xFFFFFFFF  }
0xad: {  	[dreg:$0x0] =	wrdreg $0x60  }
0xae: {  	[dreg:$0x2] =	wrdreg s24  }
0xaf: {  	[dreg:$0x3] =	wrdreg s2  }
0xb0: {  	[dreg:$0x4] =	wrdreg $0x30000  }
0xb1: {  	[dreg:$0x5] =	wrdreg $0x9  }
0xb2: {  	_ =	task.clear_ibuf [dreg:s7], $0x6FFFF;
	_ =	strace $0x90000046  }
0xb3: {  	s29 =	simm.s32 $0x9;
	_ =	strace $0x80000048  }
0xb4: {  	_ =	swait.ge [sflag:s29], $0x1  }
0xb5: {  	[sflag:s29] =	ssyncadd.s32 $0xFFFFFFFF  }
0xb6: {  	_ =	strace $0x90000048  }
0xb7: {  	_ =	sfence  }
0xb8: {  	s30 =	sld [smem:$0x0];
	_ =	sdelay $0x2  }
0xb9: {  	s31 =	sshll.u32 s1, $0xD;
	s1 =	sshrl.u32 s1, $0x2  }
0xba: {  	s3 =	sand.u32 $0x4000, s31;
	s1 =	sadd.s32 s1, s30  }
0xbb: {  	s0 =	sor.u32 s3, s0;
	s1 =	sshll.u32 s1, $0x11  }
0xbc: {  	s0 =	sor.u32 s1, s0  }
0xbd: {  	s0 =	sadd.s32 $0x8F2B, s0  }
0xbe: {  	[sflag:s0] =	ssyncadd.remote.s32 $0x1  }
0xbf: {  	_ =	sfence.sel $0xFFFF  }
0xc0: {  	[dreg:$0x0] =	wrdreg $0xFFFFFFFF;
	(pc) =	sbr.abs _section_cstart, $3  }
0xc1: {  	[dreg:$0x1] =	wrdreg $0xFFFFFFFF  }
0xc2: {  	_ =	task.clear_ibuf [dreg:s7], $0x2FFFF;
	_ =	strace $0x9FFFFFFF  }
0xc3: {  	(tm) =	ssettm $0x7FFFFFFF  }
tec
execute0_lowered:
.L_overlay_start_1:
0x0: {  	(tag) =	ssettag $0x1  }
0x1: {  	s6 =	rddreg [dreg:$0x0]  }
0x2: {  	s2 =	rddreg [dreg:$0x1]  }
0x3: {  	s0 =	srdreg.scid;
	s3 =	rddreg [dreg:$0x2]  }
0x4: {  	s4 =	simm.s32 $0x0;
	s13 =	simm.s32 $0x80;
	s14 =	simm.s32 $0x1  }
0x5: {  	s15 =	simm.s32 $0x0;
	s5 =	sand.u32 $0x1, s0;
	s0 =	stileid.u32  }
0x6: {  	[smem:$0x7FF] =	sst s4;
	s1 =	sshll.u32 s5, $0x4;
	s8 =	smul.u32 $0x2800, s0  }
0x7: {  	s9 =	smul.u32 $0x28000, s5;
	s5 =	ssub.s32 $0x2, s5;
	s1 =	sor.u32 s0, s1  }
0x8: {  	s31 =	sshll.u32 s0, $0x6;
	s11 =	sshrl.u32 s5, $0x1;
	s7 =	smul.u32 $0x500, s1  }
0x9: {  	s1 =	rddreg [dreg:$0x3];
	_ =	strace $0x80000047;
	s10 =	sshrl.u32 s8, $0x3  }
0xa: {  	s9 =	sadd.s32 s8, s9;
	s11 =	ssub.s32 s5, s11;
	s12 =	sadd.s32 s8, s3  }
0xb: {  	s10 =	sadd.s32 s10, s6;
	s9 =	sshrl.u32 s9, $0x3;
	s8 =	smax.u32 s11, $0x1  }
0xc: {  	s11 =	sor.u32 $0x1C02, s31;
	s12 =	sshrl.u32 s12, $0x3;
	s7 =	sadd.s32 s7, s6  }
0xd: {  	s9 =	sadd.s32 s9, s6;
	s6 =	sadd.s32 $0xDE00, s10;
	s10 =	simm.s32 $0x2800  }
0xe: {  	s5 =	sadd.s32 $0x3E00, s7;
	s7 =	sadd.s32 $0x12E00, s9;
	s9 =	simm.s32 $0x2  }
.LBB2_1:
0xf: {  	[tilespmem:s4], [sflag:$0x2] =	stream.linear.gather [hbm4b:s5+s4], $0x2800, $0x38;
	[tilespmem:$0x5800] =	vst v63  }
0x10: {  	_ =	swait.ge [sflag:s9], $0x2800  }
0x11: {  	[sflag:s9] =	ssyncset.done $0x0  }
0x12: {  	[sflag:s9] =	ssyncadd.s32 $0xFFFFD800  }
0x13: {  	[tilespmem:s10], [sflag:$0x2] =	stream.linear.gather [hbm4b:s2+s4], $0x800, $0x38;
	[tilespmem:$0x5800] =	vst v63  }
0x14: {  	_ =	swait.ge [sflag:s9], $0x800  }
0x15: {  	[sflag:s9] =	ssyncset.done $0x0  }
0x16: {  	[sflag:s9] =	ssyncadd.s32 $0xFFFFF800  }
0x17: {  	[spmem:s12], [sflag:s11] =	dma.local [hbm:s6], $0x500  }
0x18: {  	_ =	swait.ge [sflag:s9], $0x500  }
0x19: {  	[sflag:s9] =	ssyncset.done $0x0  }
0x1a: {  	[sflag:s9] =	ssyncadd.s32 $0xFFFFFB00  }
0x1b: {  	s16 =	simm.s32 $0x0;
	[bflag:$0x0] =	sbarrier.arrive $0xFFFF  }
0x1c: {  	[spmem:s3] =	stream.indirect.scatter.add.f32 [tilespmem:s10], [sflag:$0x1], $0x10, s16, s13, $0xb8;
	[tilespmem:$0x5800] =	vst v63  }
0x1d: {  	s29 =	simm.s32 $0x80  }
0x1e: {  	[spmem:s3] =	stream.indirect.scatter.add.f32 [tilespmem:s10], [sflag:$0x1], $0x10, s29, s13, $0xb8;
	[tilespmem:$0x5800] =	vst v63  }
0x1f: {  	s30 =	simm.s32 $0x100  }
0x20: {  	[spmem:s3] =	stream.indirect.scatter.add.f32 [tilespmem:s10], [sflag:$0x1], $0x10, s30, s13, $0xb8;
	[tilespmem:$0x5800] =	vst v63  }
0x21: {  	s31 =	simm.s32 $0x180  }
0x22: {  	[spmem:s3] =	stream.indirect.scatter.add.f32 [tilespmem:s10], [sflag:$0x1], $0x10, s31, s13, $0xb8;
	[tilespmem:$0x5800] =	vst v63  }
0x23: {  	_ =	swait.ge [sflag:s14], $0x800  }
0x24: {  	[sflag:s14] =	ssyncset.done $0x0  }
0x25: {  	[sflag:s14] =	ssyncadd.s32 $0xFFFFF800  }
0x26: {  	_ =	swait.ge [sflag:s14], $0x800  }
0x27: {  	[sflag:s14] =	ssyncset.done $0x0  }
0x28: {  	[sflag:s14] =	ssyncadd.s32 $0xFFFFF800  }
0x29: {  	_ =	swait.ge [sflag:s14], $0x800  }
0x2a: {  	[sflag:s14] =	ssyncset.done $0x0  }
0x2b: {  	[sflag:s14] =	ssyncadd.s32 $0xFFFFF800  }
0x2c: {  	_ =	swait.ge [sflag:s14], $0x800  }
0x2d: {  	s17 =	simm.s32 $0x1000;
	s16 =	simm.s32 $0x800;
	[sflag:s14] =	ssyncset.done $0x0  }
.LBB2_2:
0x2e: {  	s18 =	sshra.s32 s16, $0x2  }
0x2f: {  	[sflag:s14] =	ssyncadd.s32 $0xFFFFF800;
	s16 =	smov.u32 s17;
	s19 =	sadd.s32 $0x800, s17  }
0x30: {  	[spmem:s3] =	stream.indirect.scatter.add.f32 [tilespmem:s10], [sflag:$0x1], $0x10, s18, s13, $0xb8;
	[tilespmem:$0x5800] =	vst v63  }
0x31: {  	p0 =	sne.s32 s17, $0x9800;
	s17 =	sadd.s32 $0x80, s18  }
0x32: {  	[spmem:s3] =	stream.indirect.scatter.add.f32 [tilespmem:s10], [sflag:$0x1], $0x10, s17, s13, $0xb8;
	[tilespmem:$0x5800] =	vst v63  }
0x33: {  	s17 =	sadd.s32 $0x100, s18  }
0x34: {  	[spmem:s3] =	stream.indirect.scatter.add.f32 [tilespmem:s10], [sflag:$0x1], $0x10, s17, s13, $0xb8;
	[tilespmem:$0x5800] =	vst v63  }
0x35: {  	s17 =	sadd.s32 $0x180, s18  }
0x36: {  	[spmem:s3] =	stream.indirect.scatter.add.f32 [tilespmem:s10], [sflag:$0x1], $0x10, s17, s13, $0xb8;
	[tilespmem:$0x5800] =	vst v63  }
0x37: {  	_ =	swait.ge [sflag:s14], $0x800  }
0x38: {  	[sflag:s14] =	ssyncset.done $0x0  }
0x39: {  	[sflag:s14] =	ssyncadd.s32 $0xFFFFF800  }
0x3a: {  	_ =	swait.ge [sflag:s14], $0x800  }
0x3b: {  	[sflag:s14] =	ssyncset.done $0x0  }
0x3c: {  	[sflag:s14] =	ssyncadd.s32 $0xFFFFF800  }
.Ltmp0:
0x3d: {  	_ =	swait.ge [sflag:s14], $0x800;
	(pc) =	sbr.rel @p0 .LBB2_2-.Ltmp0, $4  }
0x3e: {  	[sflag:s14] =	ssyncset.done $0x0  }
0x3f: {  	[sflag:s14] =	ssyncadd.s32 $0xFFFFF800  }
0x40: {  	_ =	swait.ge [sflag:s14], $0x800  }
0x41: {  	s17 =	smov.u32 s19;
	[sflag:s14] =	ssyncset.done $0x0  }
0x42: {  	s16 =	sshra.s32 s16, $0x2;
	[sflag:s14] =	ssyncadd.s32 $0xFFFFF800  }
0x43: {  	[spmem:s3] =	stream.indirect.scatter.add.f32 [tilespmem:s10], [sflag:$0x1], $0x10, s16, s13, $0xb8;
	[tilespmem:$0x5800] =	vst v63  }
0x44: {  	s17 =	sadd.s32 $0x80, s16  }
0x45: {  	[spmem:s3] =	stream.indirect.scatter.add.f32 [tilespmem:s10], [sflag:$0x1], $0x10, s17, s13, $0xb8;
	[tilespmem:$0x5800] =	vst v63  }
0x46: {  	s31 =	sadd.s32 $0x100, s16  }
0x47: {  	[spmem:s3] =	stream.indirect.scatter.add.f32 [tilespmem:s10], [sflag:$0x1], $0x10, s31, s13, $0xb8;
	[tilespmem:$0x5800] =	vst v63  }
0x48: {  	s16 =	sadd.s32 $0x180, s16  }
0x49: {  	[spmem:s3] =	stream.indirect.scatter.add.f32 [tilespmem:s10], [sflag:$0x1], $0x10, s16, s13, $0xb8;
	[tilespmem:$0x5800] =	vst v63  }
0x4a: {  	_ =	swait.ge [sflag:s14], $0x800  }
0x4b: {  	[sflag:s14] =	ssyncset.done $0x0  }
0x4c: {  	[sflag:s14] =	ssyncadd.s32 $0xFFFFF800  }
0x4d: {  	_ =	swait.ge [sflag:s14], $0x800  }
0x4e: {  	[sflag:s14] =	ssyncset.done $0x0  }
0x4f: {  	[sflag:s14] =	ssyncadd.s32 $0xFFFFF800  }
0x50: {  	_ =	swait.ge [sflag:s14], $0x800  }
0x51: {  	[sflag:s14] =	ssyncset.done $0x0  }
0x52: {  	[sflag:s14] =	ssyncadd.s32 $0xFFFFF800  }
0x53: {  	_ =	swait.ge [sflag:s14], $0x800  }
0x54: {  	s15 =	sadd.s32 $0x1, s15;
	[sflag:s14] =	ssyncset.done $0x0  }
0x55: {  	p0 =	sne.s32 s15, s8;
	[sflag:s14] =	ssyncadd.s32 $0xFFFFF800  }
.Ltmp1:
0x56: {  	[bflag:$0x0] =	sbarrier.arrive $0xFFFF;
	(pc) =	sbr.rel @p0 .LBB2_1-.Ltmp1, $4  }
0x57: {  	[hbm:s7], [sflag:s11] =	dma.local [spmem:s12], $0x500  }
0x58: {  	_ =	swait.ge [sflag:s9], $0x500  }
0x59: {  	[sflag:s9] =	ssyncset.done $0x0  }
0x5a: {  	[sflag:s9] =	ssyncadd.s32 $0xFFFFFB00  }
0x5b: {  	_ =	sfence.sel $0x180000  }
0x5c: {  	[bflag:$0x0] =	sbarrier.arrive $0xFFFF  }
0x5d: {  	p0 =	sne.s32 s0, $0x0;
	_ =	strace $0x90000047  }
0x5e: {  	s0 =	sadd.s32 @!p0 $0x100000, s1;
	[bflag:$0x2] =	sbarrier.arrive $0xFFFF  }
0x5f: {  	[sflag:s0] =	ssyncadd.tile.s32 @!p0 $0x1;
	_ =	shalt  }
.Lfunc_end2:
_tile_overlayer_lowered:
.L_overlay_start_2:
0x60: {  	(tag) =	ssettag $0x2  }
0x61: {  	s0 =	rddreg [dreg:$0x0];
	s2 =	stileid.u32  }
0x62: {  	s1 =	rddreg [dreg:$0x1];
	p0 =	sne.s32 s2, $0x0  }
0x63: {  	s3 =	rddreg [dreg:$0x2];
	[bflag:$0x3] =	sbarrier.arrive $0xFFFF;
	s2 =	simm.s32 @!p0 $0x1C02  }
0x64: {  	[timem:s3], [sflag:s2] =	dma.local @!p0 [hbm:s0], s1  }
0x65: {  	s0 =	simm.s32 @!p0 $0x2  }
0x66: {  	_ =	swait.ge @!p0 [sflag:s0], s1  }
0x67: {  	s1 =	ssub.s32 @!p0 $0x0, s1;
	[sflag:s0] =	ssyncset.done @!p0 $0x0  }
0x68: {  	[sflag:s0] =	ssyncadd.s32 @!p0 s1  }
0x69: {  	[bflag:$0x3] =	sbarrier.arrive $0xFFFF  }
0x6a: {  	_ =	shalt  }

// kernel: kernel.13.cloned.1.call-start
scs
__scs_entry_jumppad:
0x0: {  	(pc) =	sbr.rel $0x88, $3  }
0x1: {  	(tag) =	ssettag $0x0;
	lr =	simm.s32 $0x1  }
0x2: {  	[smem:$0x3F94] =	sst lr;
	_ =	strace $0xD0000000  }
0x3: {  	_ = 	snop  }
0x4: {  	_ = 	snop  }
0x5: {  	_ = 	snop  }
0x6: {  	_ = 	snop  }
0x7: {  	_ = 	snop  }
__scs_overlays_trampoline_lowered:
0x8: {  	[smem:$0x3FA3] =	sst s0  }
0x9: {  	[smem:$0x3FA4] =	sst s1  }
0xa: {  	[smem:$0x3FA5] =	sst s2  }
0xb: {  	[smem:$0x3FA6] =	sst s3  }
0xc: {  	[smem:$0x3FA7] =	sst s4  }
0xd: {  	[smem:$0x3FA8] =	sst s5  }
0xe: {  	[smem:$0x3FA9] =	sst s6  }
0xf: {  	[smem:$0x3FAA] =	sst s7  }
0x10: {  	[smem:$0x3FAB] =	sst s8  }
0x11: {  	[smem:$0x3FAC] =	sst s9;
	s0 =	simm.s32 @!p0 $0x0  }
0x12: {  	s1 =	sld [smem:$0x3F92];
	s0 =	simm.s32 @p0 $0x1  }
0x13: {  	[smem:$0x3FAD] =	sst s0;
	s0 =	simm.s32 @!p1 $0x0  }
0x14: {  	s2 =	sld [smem:$0x3F91];
	s0 =	simm.s32 @p1 $0x1  }
0x15: {  	[smem:$0x3FAE] =	sst s0;
	s0 =	simm.s32 @!p2 $0x0  }
0x16: {  	s3 =	sld [smem:$0x3FDB];
	s0 =	simm.s32 @p2 $0x1  }
0x17: {  	s4 =	simm.s32 $0x1BF5;
	[smem:$0x3FB0] =	sst s0  }
0x18: {  	s0 =	sld [smem:$0x3F93];
	_ =	swait.ge [sflag:s4], $0x0  }
0x19: {  	s7 =	sld [smem:$0x3F94]  }
0x1a: {  	s8 =	sadd.s32 $0xFFFFE003, lr  }
0x1b: {  	s9 =	sadd.s32 $0xFFFFFEF7, lr;
	s5 =	simm.s32 $0xFFFFFFFF;
	p2 =	slt.u32 s8, $0xFFFFF086  }
0x1c: {  	p1 =	slt.u32 s9, $0xF7A;
	s5 =	simm.s32 @!p2 $0x0  }
0x1d: {  	s5 =	simm.s32 @p1 $0x1;
	p0 =	seq.s32 s7, s2  }
0x1e: {  	s7 =	smul.u32 @!p0 $0xF7A, s2;
	p2 =	seq.s32 @!p0 s5, $0x0  }
0x1f: {  	s9 =	smul.u32 $0xF7A, s1;
	s8 =	simm.s32 @!p0 $0x1BF5;
	p2 =	por !p2, p0  }
0x20: {  	[sflag:s8] =	ssyncset.s32 @!p0 $0xFFFFF086;
	s6 =	sadd.s32 @!p0 s3, s7;
	s7 =	simm.s32 @!p0 $0x108  }
0x21: {  	s3 =	sadd.s32 s3, s9;
	s6 =	sadd.s32 @!p0 $0x88, s6;
	s7 =	simm.s32 @p2 $0x1082  }
0x22: {  	[simem:s7], [sflag:s8] =	dma.local @!p0 [hbm:s6], $0xF7A  }
0x23: {  	s9 =	sor.u32 $0xD0000000, s2;
	s6 =	simm.s32 $0x108;
	_ =	swait.ge @!p0 [sflag:s8], $0x0  }
0x24: {  	s3 =	sadd.s32 $0x88, s3;
	s6 =	simm.s32 @!p1 $0x1082;
	[sflag:s4] =	ssyncset.s32 $0xFFFFF086  }
0x25: {  	[simem:s6], [sflag:s4] =	dma.local [hbm:s3], $0xF7A  }
0x26: {  	[smem:$0x3F94] =	sst s1;
	(tag) =	ssettag s2;
	_ =	strace s9  }
0x27: {  	s1 =	sld [smem:$0x3FA4]  }
0x28: {  	s2 =	sld [smem:$0x3FA5]  }
0x29: {  	s4 =	sld [smem:$0x3FA7]  }
0x2a: {  	p0 =	seq.s32 s5, $0x0;
	s5 =	sld [smem:$0x3FA8]  }
0x2b: {  	s6 =	sld [smem:$0x3FA9]  }
0x2c: {  	s7 =	sld [smem:$0x3FAA]  }
0x2d: {  	s3 =	simm.s32 $0x108;
	s8 =	sld [smem:$0x3FAB]  }
0x2e: {  	s3 =	simm.s32 @!p0 $0x1082;
	s9 =	sld [smem:$0x3FAC]  }
0x2f: {  	lr =	sadd.s32 s0, s3;
	s0 =	sld [smem:$0x3FA3]  }
0x30: {  	s3 =	sld [smem:$0x3FA6]  }
0x31: {  	[smem:$0x3FAF] =	sst s10  }
0x32: {  	s10 =	sld [smem:$0x3FAD];
	_ =	sdelay $0x3  }
0x33: {  	p0 =	seq.s32 s10, $0x1;
	s10 =	sld [smem:$0x3FAF];
	_ =	sdelay $0x3  }
0x34: {  	[smem:$0x3FAF] =	sst s10  }
0x35: {  	s10 =	sld [smem:$0x3FAE];
	_ =	sdelay $0x3  }
0x36: {  	p1 =	seq.s32 s10, $0x1;
	s10 =	sld [smem:$0x3FAF];
	_ =	sdelay $0x3  }
0x37: {  	[smem:$0x3FAF] =	sst s10  }
0x38: {  	s10 =	sld [smem:$0x3FB0]  }
0x39: {  	_ = 	snop;
	(pc) =	sbr.ind lr, $3  }
0x3a: {  	_ = 	snop  }
0x3b: {  	_ = 	snop  }
0x3c: {  	p2 =	seq.s32 s10, $0x1;
	s10 =	sld [smem:$0x3FAF]  }
0x3d: {  	_ =	shalt  }
0x3e: {  	_ =	shalt  }
0x3f: {  	_ =	shalt  }
0x40: {  	_ =	shalt  }
0x41: {  	_ =	shalt  }
0x42: {  	_ =	shalt  }
0x43: {  	_ =	shalt  }
0x44: {  	_ =	shalt  }
0x45: {  	_ =	shalt  }
0x46: {  	_ =	shalt  }
0x47: {  	_ =	shalt  }
0x48: {  	_ =	shalt  }
0x49: {  	_ =	shalt  }
0x4a: {  	_ =	shalt  }
0x4b: {  	_ =	shalt  }
0x4c: {  	_ =	shalt  }
0x4d: {  	_ =	shalt  }
0x4e: {  	_ =	shalt  }
0x4f: {  	_ =	shalt  }
0x50: {  	_ =	shalt  }
0x51: {  	_ =	shalt  }
0x52: {  	_ =	shalt  }
0x53: {  	_ =	shalt  }
0x54: {  	_ =	shalt  }
0x55: {  	_ =	shalt  }
0x56: {  	_ =	shalt  }
0x57: {  	_ =	shalt  }
0x58: {  	_ =	shalt  }
0x59: {  	_ =	shalt  }
0x5a: {  	_ =	shalt  }
0x5b: {  	_ =	shalt  }
0x5c: {  	_ =	shalt  }
0x5d: {  	_ =	shalt  }
0x5e: {  	_ =	shalt  }
0x5f: {  	_ =	shalt  }
0x60: {  	_ =	shalt  }
0x61: {  	_ =	shalt  }
0x62: {  	_ =	shalt  }
0x63: {  	_ =	shalt  }
0x64: {  	_ =	shalt  }
0x65: {  	_ =	shalt  }
0x66: {  	_ =	shalt  }
0x67: {  	_ =	shalt  }
0x68: {  	_ =	shalt  }
0x69: {  	_ =	shalt  }
0x6a: {  	_ =	shalt  }
0x6b: {  	_ =	shalt  }
0x6c: {  	_ =	shalt  }
0x6d: {  	_ =	shalt  }
0x6e: {  	_ =	shalt  }
0x6f: {  	_ =	shalt  }
0x70: {  	_ =	shalt  }
0x71: {  	_ =	shalt  }
0x72: {  	_ =	shalt  }
0x73: {  	_ =	shalt  }
0x74: {  	_ =	shalt  }
0x75: {  	_ =	shalt  }
0x76: {  	_ =	shalt  }
0x77: {  	_ =	shalt  }
0x78: {  	_ =	shalt  }
0x79: {  	_ =	shalt  }
0x7a: {  	_ =	shalt  }
0x7b: {  	_ =	shalt  }
0x7c: {  	_ =	shalt  }
0x7d: {  	_ =	shalt  }
0x7e: {  	_ =	shalt  }
0x7f: {  	_ =	shalt  }
0x80: {  	_ =	shalt  }
0x81: {  	_ =	shalt  }
0x82: {  	_ =	shalt  }
0x83: {  	_ =	shalt  }
0x84: {  	_ =	shalt  }
0x85: {  	_ =	shalt  }
0x86: {  	_ =	shalt  }
0x87: {  	_ =	shalt  }
.Lfunc_end0:
.L_simem_size_0:
called_computation.1_lowered:
.L_overlay_start_0:
0x88: {  	s2 =	sld [smem:$0x3FD9]  }
0x89: {  	s3 =	sld [smem:$0x3FFE];
	_ =	sdelay $0x1  }
0x8a: {  	s1 =	srdreg.scid  }
0x8b: {  	s0 =	sand.u32 $0x1, s1  }
0x8c: {  	s16 =	sshll.u32 s0, $0xA;
	s2 =	sadd.s32 s3, s2  }
0x8d: {  	s2 =	sadd.s32 s2, s16  }
0x8e: {  	[smem:$0x3FBB] =	sst s2  }
0x8f: {  	_ = 	snop  }
0x90: {  	(tm) =	ssettm $0x1  }
0x91: {  	s17 =	sld [smem:$0x3FFB];
	_ =	sdelay $0x3  }
0x92: {  	_ =	strace s17  }
0x93: {  	s2 =	sld [smem:$0x3FFC];
	_ =	sdelay $0x3  }
0x94: {  	_ =	strace s2  }
0x95: {  	s2 =	sld [smem:$0x3FFD];
	_ =	sdelay $0x3  }
0x96: {  	_ =	strace s2  }
0x97: {  	_ =	strace $0x8FFFFFFF  }
0x98: {  	s18 =	sld [smem:$0x3FDB];
	_ =	sdelay $0x1  }
0x99: {  	s19 =	simm.s32 $_scs_section_size  }
0x9a: {  	s4 =	simm.s32 $_size__tile_overlayer_lowered;
	s5 =	simm.s32 $_tile_overlayer_lowered  }
0x9b: {  	s22 =	simm.s32 $0x1BFF;
	s21 =	sshll.u32 s5, $0x1;
	s2 =	sadd.s32 s19, s18  }
0x9c: {  	s6 =	simm.s32 $0x0;
	s20 =	sshll.u32 s4, $0x1;
	s4 =	sadd.s32 s21, s2  }
0x9d: {  	[timem:s6], [sflag:s22] =	dma.local [hbm:s4], s20  }
0x9e: {  	_ =	swait.ge [sflag:s22], s20  }
0x9f: {  	s3 =	ssub.s32 $0x0, s20;
	[sflag:s22] =	ssyncset.done $0x0  }
0xa0: {  	[sflag:s22] =	ssyncadd.s32 s3;
	_ =	sdelay $0x1  }
0xa1: {  	s23 =	simm.s32 $0x1B8B  }
0xa2: {  	_ =	swait.ge [sflag:s23], $0x1  }
0xa3: {  	[sflag:s23] =	ssyncset.done $0x0  }
0xa4: {  	s25 =	simm.s32 $0x1B8E;
	s24 =	sld [smem:$0x3FFE];
	[sflag:s23] =	ssyncadd.s32 $0xFFFFFFFF  }
0xa5: {  	s26 =	simm.s32 $execute0_lowered;
	[smem:$0x3FD2] =	sst s25  }
0xa6: {  	s4 =	sshll.u32 s26, $0x1;
	_ =	strace $0x80000049;
	[dreg:$0x1] =	wrdreg $0xFFFFFFFF  }
0xa7: {  	s28 =	simm.s32 $_size_execute0_lowered;
	s2 =	sadd.s32 s2, s4;
	[dreg:$0x0] =	wrdreg $0x0  }
0xa8: {  	s4 =	sshll.u32 s28, $0x1;
	[dreg:$0x2] =	wrdreg s2  }
0xa9: {  	[dreg:$0x3] =	wrdreg s4  }
0xaa: {  	[dreg:$0x4] =	wrdreg $0xC0  }
0xab: {  	_ =	task [dreg:s6], $0x5FFFF  }
0xac: {  	[dreg:$0x1] =	wrdreg $0xFFFFFFFF  }
0xad: {  	[dreg:$0x0] =	wrdreg $0x60  }
0xae: {  	[dreg:$0x2] =	wrdreg s24  }
0xaf: {  	[dreg:$0x3] =	wrdreg $0x90000  }
0xb0: {  	[dreg:$0x4] =	wrdreg $0x9  }
0xb1: {  	_ =	task.clear_ibuf [dreg:s6], $0x5FFFF;
	_ =	strace $0x90000049  }
0xb2: {  	s29 =	simm.s32 $0x9;
	_ =	strace $0x8000004B  }
0xb3: {  	_ =	swait.ge [sflag:s29], $0x1  }
0xb4: {  	[sflag:s29] =	ssyncadd.s32 $0xFFFFFFFF  }
0xb5: {  	_ =	strace $0x9000004B  }
0xb6: {  	_ =	sfence  }
0xb7: {  	s30 =	sld [smem:$0x0];
	_ =	sdelay $0x2  }
0xb8: {  	s31 =	sshll.u32 s1, $0xD;
	s1 =	sshrl.u32 s1, $0x2  }
0xb9: {  	s3 =	sand.u32 $0x4000, s31;
	s1 =	sadd.s32 s1, s30  }
0xba: {  	s0 =	sor.u32 s3, s0;
	s1 =	sshll.u32 s1, $0x11  }
0xbb: {  	s0 =	sor.u32 s1, s0  }
0xbc: {  	s0 =	sadd.s32 $0x8F2B, s0  }
0xbd: {  	[sflag:s0] =	ssyncadd.remote.s32 $0x1  }
0xbe: {  	_ =	sfence.sel $0xFFFF  }
0xbf: {  	[dreg:$0x0] =	wrdreg $0xFFFFFFFF;
	(pc) =	sbr.abs _section_cstart, $3  }
0xc0: {  	[dreg:$0x1] =	wrdreg $0xFFFFFFFF  }
0xc1: {  	_ =	task.clear_ibuf [dreg:s6], $0x2FFFF;
	_ =	strace $0x9FFFFFFF  }
0xc2: {  	(tm) =	ssettm $0x7FFFFFFF  }
0xc3: {  	_ =	shalt  }
tec
execute0_lowered:
.L_overlay_start_1:
0x0: {  	(tag) =	ssettag $0x1  }
0x1: {  	s6 =	rddreg [dreg:$0x0]  }
0x2: {  	s0 =	srdreg.scid;
	s2 =	rddreg [dreg:$0x1];
	s3 =	simm.s32 $0x0  }
0x3: {  	s14 =	simm.s32 $0x80;
	s15 =	simm.s32 $0x5000;
	s16 =	simm.s32 $0x7000  }
0x4: {  	s17 =	simm.s32 $0x1;
	s18 =	simm.s32 $0x2;
	s19 =	simm.s32 $0x4F00  }
0x5: {  	s20 =	simm.s32 $0x4F80;
	s5 =	sand.u32 $0x1, s0;
	s0 =	stileid.u32  }
0x6: {  	s21 =	simm.s32 $0x0;
	[smem:$0x7FF] =	sst s3;
	s8 =	smul.u32 $0xA000, s0  }
0x7: {  	s4 =	sadd.s32 $0x4EE00, s6;
	s1 =	sshll.u32 s5, $0x4;
	s9 =	smul.u32 $0xA0000, s5  }
0x8: {  	s5 =	ssub.s32 $0x2, s5;
	s12 =	sshll.u32 s0, $0x6;
	s1 =	sor.u32 s0, s1  }
0x9: {  	s11 =	sshrl.u32 s5, $0x1;
	s12 =	sor.u32 $0x1C03, s12;
	s7 =	smul.u32 $0x500, s1  }
0xa: {  	s1 =	rddreg [dreg:$0x2];
	_ =	strace $0x8000004A;
	s10 =	sshrl.u32 s8, $0x3  }
0xb: {  	s9 =	sadd.s32 s8, s9;
	s11 =	ssub.s32 s5, s11;
	s13 =	sadd.s32 s8, s2  }
0xc: {  	s10 =	sadd.s32 s10, s6;
	s9 =	sshrl.u32 s9, $0x3;
	s7 =	sadd.s32 s7, s6  }
0xd: {  	s13 =	sshrl.u32 s13, $0x3;
	s9 =	sadd.s32 s9, s6;
	s5 =	sadd.s32 $0x1CE00, s7  }
0xe: {  	s6 =	sadd.s32 $0x3E00, s7;
	s7 =	sadd.s32 $0x62E00, s10;
	s8 =	sadd.s32 $0x76E00, s9  }
0xf: {  	s9 =	smax.u32 s11, $0x1;
	s10 =	simm.s32 $0x3;
	s11 =	simm.s32 $0x2800  }
.LBB2_1:
0x10: {  	[tilespmem:s3], [sflag:$0x3] =	stream.linear.gather [hbm4b:s5+s3], $0x2800, $0x38;
	[tilespmem:$0x13000] =	vst v63  }
0x11: {  	_ =	swait.ge [sflag:s10], $0x2800  }
0x12: {  	[sflag:s10] =	ssyncset.done $0x0  }
0x13: {  	[sflag:s10] =	ssyncadd.s32 $0xFFFFD800  }
0x14: {  	[tilespmem:s11], [sflag:$0x3] =	stream.linear.gather [hbm4b:s6+s3], $0x2800, $0x38;
	[tilespmem:$0x13000] =	vst v63  }
0x15: {  	_ =	swait.ge [sflag:s10], $0x2800  }
0x16: {  	[sflag:s10] =	ssyncset.done $0x0  }
0x17: {  	[sflag:s10] =	ssyncadd.s32 $0xFFFFD800  }
0x18: {  	[spmem:s13], [sflag:s12] =	dma.local [hbm:s7], $0x1400  }
0x19: {  	_ =	swait.ge [sflag:s10], $0x1400  }
0x1a: {  	[sflag:s10] =	ssyncset.done $0x0  }
0x1b: {  	[sflag:s10] =	ssyncadd.s32 $0xFFFFEC00  }
0x1c: {  	[bflag:$0x0] =	sbarrier.arrive $0xFFFF  }
0x1d: {  	[tilespmem:s15], [sflag:$0x1] =	stream.indirect.gather [hbm4b:s4+s14], $0x40, s3, s14, $0xb8;
	[tilespmem:$0x13000] =	vst v63  }
0x1e: {  	_ = 	snop  }
0x1f: {  	[tilespmem:s16], [sflag:$0x2] =	stream.indirect.gather [hbm4b:s4+s14], $0x40, s14, s14, $0xb8;
	[tilespmem:$0x13000] =	vst v63  }
0x20: {  	_ =	swait.ge [sflag:s17], $0x2000  }
0x21: {  	[sflag:s17] =	ssyncset.done $0x0  }
0x22: {  	s22 =	simm.s32 $0x2800;
	[sflag:s17] =	ssyncadd.s32 $0xFFFFE000  }
0x23: {  	[spmem:s2] =	stream.indirect.scatter.add.f32 [tilespmem:s15], [sflag:$0x3], $0x40, s22, s14, $0xb8;
	[tilespmem:$0x13000] =	vst v63  }
0x24: {  	_ =	swait.ge [sflag:s10], $0x2000  }
0x25: {  	[sflag:s10] =	ssyncset.done $0x0  }
0x26: {  	s30 =	simm.s32 $0x100;
	[sflag:s10] =	ssyncadd.s32 $0xFFFFE000  }
0x27: {  	[tilespmem:s15], [sflag:$0x1] =	stream.indirect.gather [hbm4b:s4+s14], $0x40, s30, s14, $0xb8;
	[tilespmem:$0x13000] =	vst v63  }
0x28: {  	_ =	swait.ge [sflag:s18], $0x2000  }
0x29: {  	[sflag:s18] =	ssyncset.done $0x0  }
0x2a: {  	s31 =	simm.s32 $0x2880;
	[sflag:s18] =	ssyncadd.s32 $0xFFFFE000  }
0x2b: {  	[spmem:s2] =	stream.indirect.scatter.add.f32 [tilespmem:s16], [sflag:$0x3], $0x40, s31, s14, $0xb8;
	[tilespmem:$0x13000] =	vst v63  }
0x2c: {  	_ =	swait.ge [sflag:s10], $0x2000  }
0x2d: {  	[sflag:s10] =	ssyncset.done $0x0  }
0x2e: {  	s23 =	simm.s32 $0x180;
	s22 =	simm.s32 $0x400;
	[sflag:s10] =	ssyncadd.s32 $0xFFFFE000  }
.LBB2_2:
0x2f: {  	[tilespmem:s16], [sflag:$0x2] =	stream.indirect.gather [hbm4b:s4+s14], $0x40, s23, s14, $0xb8;
	[tilespmem:$0x13000] =	vst v63  }
0x30: {  	s23 =	smov.u32 s22  }
0x31: {  	p0 =	sne.s32 s22, $0x9800;
	s22 =	sadd.s32 $0x400, s22;
	_ =	swait.ge [sflag:s17], $0x2000  }
0x32: {  	s23 =	sshra.s32 s23, $0x2;
	[sflag:s17] =	ssyncset.done $0x0  }
0x33: {  	s24 =	sadd.s32 $0x2800, s23;
	[sflag:s17] =	ssyncadd.s32 $0xFFFFE000  }
0x34: {  	[spmem:s2] =	stream.indirect.scatter.add.f32 [tilespmem:s15], [sflag:$0x3], $0x40, s24, s14, $0xb8;
	[tilespmem:$0x13000] =	vst v63  }
0x35: {  	_ =	swait.ge [sflag:s10], $0x2000  }
0x36: {  	[sflag:s10] =	ssyncset.done $0x0  }
0x37: {  	s24 =	sadd.s32 $0x100, s23;
	[sflag:s10] =	ssyncadd.s32 $0xFFFFE000  }
0x38: {  	[tilespmem:s15], [sflag:$0x1] =	stream.indirect.gather [hbm4b:s4+s14], $0x40, s24, s14, $0xb8;
	[tilespmem:$0x13000] =	vst v63  }
0x39: {  	_ =	swait.ge [sflag:s18], $0x2000  }
0x3a: {  	[sflag:s18] =	ssyncset.done $0x0  }
.Ltmp0:
0x3b: {  	s24 =	sadd.s32 $0x2880, s23;
	[sflag:s18] =	ssyncadd.s32 $0xFFFFE000;
	(pc) =	sbr.rel @p0 .LBB2_2-.Ltmp0, $4  }
0x3c: {  	[spmem:s2] =	stream.indirect.scatter.add.f32 [tilespmem:s16], [sflag:$0x3], $0x40, s24, s14, $0xb8;
	[tilespmem:$0x13000] =	vst v63  }
0x3d: {  	_ =	swait.ge [sflag:s10], $0x2000  }
0x3e: {  	[sflag:s10] =	ssyncset.done $0x0  }
0x3f: {  	s23 =	sadd.s32 $0x180, s23;
	[sflag:s10] =	ssyncadd.s32 $0xFFFFE000  }
0x40: {  	[tilespmem:s16], [sflag:$0x2] =	stream.indirect.gather [hbm4b:s4+s14], $0x40, s23, s14, $0xb8;
	[tilespmem:$0x13000] =	vst v63  }
0x41: {  	_ =	swait.ge [sflag:s17], $0x2000  }
0x42: {  	[sflag:s17] =	ssyncset.done $0x0  }
0x43: {  	[sflag:s17] =	ssyncadd.s32 $0xFFFFE000  }
0x44: {  	[spmem:s2] =	stream.indirect.scatter.add.f32 [tilespmem:s15], [sflag:$0x3], $0x40, s19, s14, $0xb8;
	[tilespmem:$0x13000] =	vst v63  }
0x45: {  	_ =	swait.ge [sflag:s10], $0x2000  }
0x46: {  	[sflag:s10] =	ssyncset.done $0x0  }
0x47: {  	[sflag:s10] =	ssyncadd.s32 $0xFFFFE000  }
0x48: {  	_ =	swait.ge [sflag:s18], $0x2000  }
0x49: {  	[sflag:s18] =	ssyncset.done $0x0  }
0x4a: {  	[sflag:s18] =	ssyncadd.s32 $0xFFFFE000  }
0x4b: {  	[spmem:s2] =	stream.indirect.scatter.add.f32 [tilespmem:s16], [sflag:$0x3], $0x40, s20, s14, $0xb8;
	[tilespmem:$0x13000] =	vst v63  }
0x4c: {  	_ =	swait.ge [sflag:s10], $0x2000  }
0x4d: {  	s21 =	sadd.s32 $0x1, s21;
	[sflag:s10] =	ssyncset.done $0x0  }
0x4e: {  	p0 =	sne.s32 s21, s9;
	[sflag:s10] =	ssyncadd.s32 $0xFFFFE000  }
.Ltmp1:
0x4f: {  	[bflag:$0x0] =	sbarrier.arrive $0xFFFF;
	(pc) =	sbr.rel @p0 .LBB2_1-.Ltmp1, $4  }
0x50: {  	[hbm:s8], [sflag:s12] =	dma.local [spmem:s13], $0x1400  }
0x51: {  	_ =	swait.ge [sflag:s10], $0x1400  }
0x52: {  	[sflag:s10] =	ssyncset.done $0x0  }
0x53: {  	[sflag:s10] =	ssyncadd.s32 $0xFFFFEC00  }
0x54: {  	_ =	sfence.sel $0x180000  }
0x55: {  	[bflag:$0x0] =	sbarrier.arrive $0xFFFF  }
0x56: {  	p0 =	sne.s32 s0, $0x0;
	_ =	strace $0x9000004A  }
0x57: {  	s0 =	sadd.s32 @!p0 $0x100000, s1;
	[bflag:$0x2] =	sbarrier.arrive $0xFFFF  }
0x58: {  	[sflag:s0] =	ssyncadd.tile.s32 @!p0 $0x1;
	_ =	shalt  }
.Lfunc_end2:
_tile_overlayer_lowered:
.L_overlay_start_2:
0x59: {  	(tag) =	ssettag $0x2  }
0x5a: {  	s0 =	rddreg [dreg:$0x0];
	s2 =	stileid.u32  }
0x5b: {  	s1 =	rddreg [dreg:$0x1];
	p0 =	sne.s32 s2, $0x0  }
0x5c: {  	s3 =	rddreg [dreg:$0x2];
	[bflag:$0x3] =	sbarrier.arrive $0xFFFF;
	s2 =	simm.s32 @!p0 $0x1C03  }
0x5d: {  	[timem:s3], [sflag:s2] =	dma.local @!p0 [hbm:s0], s1  }
0x5e: {  	s0 =	simm.s32 @!p0 $0x3  }
0x5f: {  	_ =	swait.ge @!p0 [sflag:s0], s1  }
0x60: {  	s1 =	ssub.s32 @!p0 $0x0, s1;
	[sflag:s0] =	ssyncset.done @!p0 $0x0  }
0x61: {  	[sflag:s0] =	ssyncadd.s32 @!p0 s1  }
0x62: {  	[bflag:$0x3] =	sbarrier.arrive $0xFFFF  }
0x63: {  	_ =	shalt  }

// kernel: kernel.16.cloned.1.call-start
scs
__scs_entry_jumppad:
0x0: {  	(pc) =	sbr.rel $0x88, $3  }
0x1: {  	(tag) =	ssettag $0x0;
	lr =	simm.s32 $0x1  }
0x2: {  	[smem:$0x3F94] =	sst lr;
	_ =	strace $0xD0000000  }
0x3: {  	_ = 	snop  }
0x4: {  	_ = 	snop  }
0x5: {  	_ = 	snop  }
0x6: {  	_ = 	snop  }
0x7: {  	_ = 	snop  }
__scs_overlays_trampoline_lowered:
0x8: {  	[smem:$0x3FA3] =	sst s0  }
0x9: {  	[smem:$0x3FA4] =	sst s1  }
0xa: {  	[smem:$0x3FA5] =	sst s2  }
0xb: {  	[smem:$0x3FA6] =	sst s3  }
0xc: {  	[smem:$0x3FA7] =	sst s4  }
0xd: {  	[smem:$0x3FA8] =	sst s5  }
0xe: {  	[smem:$0x3FA9] =	sst s6  }
0xf: {  	[smem:$0x3FAA] =	sst s7  }
0x10: {  	[smem:$0x3FAB] =	sst s8  }
0x11: {  	[smem:$0x3FAC] =	sst s9;
	s0 =	simm.s32 @!p0 $0x0  }
0x12: {  	s1 =	sld [smem:$0x3F92];
	s0 =	simm.s32 @p0 $0x1  }
0x13: {  	[smem:$0x3FAD] =	sst s0;
	s0 =	simm.s32 @!p1 $0x0  }
0x14: {  	s2 =	sld [smem:$0x3F91];
	s0 =	simm.s32 @p1 $0x1  }
0x15: {  	[smem:$0x3FAE] =	sst s0;
	s0 =	simm.s32 @!p2 $0x0  }
0x16: {  	s3 =	sld [smem:$0x3FDB];
	s0 =	simm.s32 @p2 $0x1  }
0x17: {  	s4 =	simm.s32 $0x1BF5;
	[smem:$0x3FB0] =	sst s0  }
0x18: {  	s0 =	sld [smem:$0x3F93];
	_ =	swait.ge [sflag:s4], $0x0  }
0x19: {  	s7 =	sld [smem:$0x3F94]  }
0x1a: {  	s8 =	sadd.s32 $0xFFFFE003, lr  }
0x1b: {  	s9 =	sadd.s32 $0xFFFFFEF7, lr;
	s5 =	simm.s32 $0xFFFFFFFF;
	p2 =	slt.u32 s8, $0xFFFFF086  }
0x1c: {  	p1 =	slt.u32 s9, $0xF7A;
	s5 =	simm.s32 @!p2 $0x0  }
0x1d: {  	s5 =	simm.s32 @p1 $0x1;
	p0 =	seq.s32 s7, s2  }
0x1e: {  	s7 =	smul.u32 @!p0 $0xF7A, s2;
	p2 =	seq.s32 @!p0 s5, $0x0  }
0x1f: {  	s9 =	smul.u32 $0xF7A, s1;
	s8 =	simm.s32 @!p0 $0x1BF5;
	p2 =	por !p2, p0  }
0x20: {  	[sflag:s8] =	ssyncset.s32 @!p0 $0xFFFFF086;
	s6 =	sadd.s32 @!p0 s3, s7;
	s7 =	simm.s32 @!p0 $0x108  }
0x21: {  	s3 =	sadd.s32 s3, s9;
	s6 =	sadd.s32 @!p0 $0x88, s6;
	s7 =	simm.s32 @p2 $0x1082  }
0x22: {  	[simem:s7], [sflag:s8] =	dma.local @!p0 [hbm:s6], $0xF7A  }
0x23: {  	s9 =	sor.u32 $0xD0000000, s2;
	s6 =	simm.s32 $0x108;
	_ =	swait.ge @!p0 [sflag:s8], $0x0  }
0x24: {  	s3 =	sadd.s32 $0x88, s3;
	s6 =	simm.s32 @!p1 $0x1082;
	[sflag:s4] =	ssyncset.s32 $0xFFFFF086  }
0x25: {  	[simem:s6], [sflag:s4] =	dma.local [hbm:s3], $0xF7A  }
0x26: {  	[smem:$0x3F94] =	sst s1;
	(tag) =	ssettag s2;
	_ =	strace s9  }
0x27: {  	s1 =	sld [smem:$0x3FA4]  }
0x28: {  	s2 =	sld [smem:$0x3FA5]  }
0x29: {  	s4 =	sld [smem:$0x3FA7]  }
0x2a: {  	p0 =	seq.s32 s5, $0x0;
	s5 =	sld [smem:$0x3FA8]  }
0x2b: {  	s6 =	sld [smem:$0x3FA9]  }
0x2c: {  	s7 =	sld [smem:$0x3FAA]  }
0x2d: {  	s3 =	simm.s32 $0x108;
	s8 =	sld [smem:$0x3FAB]  }
0x2e: {  	s3 =	simm.s32 @!p0 $0x1082;
	s9 =	sld [smem:$0x3FAC]  }
0x2f: {  	lr =	sadd.s32 s0, s3;
	s0 =	sld [smem:$0x3FA3]  }
0x30: {  	s3 =	sld [smem:$0x3FA6]  }
0x31: {  	[smem:$0x3FAF] =	sst s10  }
0x32: {  	s10 =	sld [smem:$0x3FAD];
	_ =	sdelay $0x3  }
0x33: {  	p0 =	seq.s32 s10, $0x1;
	s10 =	sld [smem:$0x3FAF];
	_ =	sdelay $0x3  }
0x34: {  	[smem:$0x3FAF] =	sst s10  }
0x35: {  	s10 =	sld [smem:$0x3FAE];
	_ =	sdelay $0x3  }
0x36: {  	p1 =	seq.s32 s10, $0x1;
	s10 =	sld [smem:$0x3FAF];
	_ =	sdelay $0x3  }
0x37: {  	[smem:$0x3FAF] =	sst s10  }
0x38: {  	s10 =	sld [smem:$0x3FB0]  }
0x39: {  	_ = 	snop;
	(pc) =	sbr.ind lr, $3  }
0x3a: {  	_ = 	snop  }
0x3b: {  	_ = 	snop  }
0x3c: {  	p2 =	seq.s32 s10, $0x1;
	s10 =	sld [smem:$0x3FAF]  }
0x3d: {  	_ =	shalt  }
0x3e: {  	_ =	shalt  }
0x3f: {  	_ =	shalt  }
0x40: {  	_ =	shalt  }
0x41: {  	_ =	shalt  }
0x42: {  	_ =	shalt  }
0x43: {  	_ =	shalt  }
0x44: {  	_ =	shalt  }
0x45: {  	_ =	shalt  }
0x46: {  	_ =	shalt  }
0x47: {  	_ =	shalt  }
0x48: {  	_ =	shalt  }
0x49: {  	_ =	shalt  }
0x4a: {  	_ =	shalt  }
0x4b: {  	_ =	shalt  }
0x4c: {  	_ =	shalt  }
0x4d: {  	_ =	shalt  }
0x4e: {  	_ =	shalt  }
0x4f: {  	_ =	shalt  }
0x50: {  	_ =	shalt  }
0x51: {  	_ =	shalt  }
0x52: {  	_ =	shalt  }
0x53: {  	_ =	shalt  }
0x54: {  	_ =	shalt  }
0x55: {  	_ =	shalt  }
0x56: {  	_ =	shalt  }
0x57: {  	_ =	shalt  }
0x58: {  	_ =	shalt  }
0x59: {  	_ =	shalt  }
0x5a: {  	_ =	shalt  }
0x5b: {  	_ =	shalt  }
0x5c: {  	_ =	shalt  }
0x5d: {  	_ =	shalt  }
0x5e: {  	_ =	shalt  }
0x5f: {  	_ =	shalt  }
0x60: {  	_ =	shalt  }
0x61: {  	_ =	shalt  }
0x62: {  	_ =	shalt  }
0x63: {  	_ =	shalt  }
0x64: {  	_ =	shalt  }
0x65: {  	_ =	shalt  }
0x66: {  	_ =	shalt  }
0x67: {  	_ =	shalt  }
0x68: {  	_ =	shalt  }
0x69: {  	_ =	shalt  }
0x6a: {  	_ =	shalt  }
0x6b: {  	_ =	shalt  }
0x6c: {  	_ =	shalt  }
0x6d: {  	_ =	shalt  }
0x6e: {  	_ =	shalt  }
0x6f: {  	_ =	shalt  }
0x70: {  	_ =	shalt  }
0x71: {  	_ =	shalt  }
0x72: {  	_ =	shalt  }
0x73: {  	_ =	shalt  }
0x74: {  	_ =	shalt  }
0x75: {  	_ =	shalt  }
0x76: {  	_ =	shalt  }
0x77: {  	_ =	shalt  }
0x78: {  	_ =	shalt  }
0x79: {  	_ =	shalt  }
0x7a: {  	_ =	shalt  }
0x7b: {  	_ =	shalt  }
0x7c: {  	_ =	shalt  }
0x7d: {  	_ =	shalt  }
0x7e: {  	_ =	shalt  }
0x7f: {  	_ =	shalt  }
0x80: {  	_ =	shalt  }
0x81: {  	_ =	shalt  }
0x82: {  	_ =	shalt  }
0x83: {  	_ =	shalt  }
0x84: {  	_ =	shalt  }
0x85: {  	_ =	shalt  }
0x86: {  	_ =	shalt  }
0x87: {  	_ =	shalt  }
.Lfunc_end0:
.L_simem_size_0:
called_computation.2_lowered:
.L_overlay_start_0:
0x88: {  	s2 =	sld [smem:$0x3FD9]  }
0x89: {  	s3 =	sld [smem:$0x3FFE];
	_ =	sdelay $0x1  }
0x8a: {  	s1 =	srdreg.scid  }
0x8b: {  	s0 =	sand.u32 $0x1, s1  }
0x8c: {  	s16 =	sshll.u32 s0, $0xA;
	s2 =	sadd.s32 s3, s2  }
0x8d: {  	s2 =	sadd.s32 s2, s16  }
0x8e: {  	[smem:$0x3FBB] =	sst s2  }
0x8f: {  	_ = 	snop  }
0x90: {  	(tm) =	ssettm $0x1  }
0x91: {  	s17 =	sld [smem:$0x3FFB];
	_ =	sdelay $0x3  }
0x92: {  	_ =	strace s17  }
0x93: {  	s2 =	sld [smem:$0x3FFC];
	_ =	sdelay $0x3  }
0x94: {  	_ =	strace s2  }
0x95: {  	s2 =	sld [smem:$0x3FFD];
	_ =	sdelay $0x3  }
0x96: {  	_ =	strace s2  }
0x97: {  	_ =	strace $0x8FFFFFFF  }
0x98: {  	s18 =	sld [smem:$0x3FDB];
	_ =	sdelay $0x1  }
0x99: {  	s19 =	simm.s32 $_scs_section_size  }
0x9a: {  	s4 =	simm.s32 $_size__tile_overlayer_lowered;
	s5 =	simm.s32 $_tile_overlayer_lowered  }
0x9b: {  	s22 =	simm.s32 $0x1BFF;
	s21 =	sshll.u32 s5, $0x1;
	s2 =	sadd.s32 s19, s18  }
0x9c: {  	s6 =	simm.s32 $0x0;
	s20 =	sshll.u32 s4, $0x1;
	s4 =	sadd.s32 s21, s2  }
0x9d: {  	[timem:s6], [sflag:s22] =	dma.local [hbm:s4], s20  }
0x9e: {  	_ =	swait.ge [sflag:s22], s20  }
0x9f: {  	s3 =	ssub.s32 $0x0, s20;
	[sflag:s22] =	ssyncset.done $0x0  }
0xa0: {  	[sflag:s22] =	ssyncadd.s32 s3;
	_ =	sdelay $0x1  }
0xa1: {  	s23 =	simm.s32 $0x1B8B  }
0xa2: {  	_ =	swait.ge [sflag:s23], $0x1  }
0xa3: {  	[sflag:s23] =	ssyncset.done $0x0  }
0xa4: {  	s25 =	simm.s32 $0x1B8E;
	s24 =	sld [smem:$0x3FFE];
	[sflag:s23] =	ssyncadd.s32 $0xFFFFFFFF  }
0xa5: {  	s26 =	simm.s32 $execute0_lowered;
	[smem:$0x3FD2] =	sst s25  }
0xa6: {  	s4 =	sshll.u32 s26, $0x1;
	_ =	strace $0x8000004C;
	[dreg:$0x1] =	wrdreg $0xFFFFFFFF  }
0xa7: {  	s28 =	simm.s32 $_size_execute0_lowered;
	s2 =	sadd.s32 s2, s4;
	[dreg:$0x0] =	wrdreg $0x0  }
0xa8: {  	s4 =	sshll.u32 s28, $0x1;
	[dreg:$0x2] =	wrdreg s2  }
0xa9: {  	[dreg:$0x3] =	wrdreg s4  }
0xaa: {  	[dreg:$0x4] =	wrdreg $0xC0  }
0xab: {  	_ =	task [dreg:s6], $0x5FFFF  }
0xac: {  	[dreg:$0x1] =	wrdreg $0xFFFFFFFF  }
0xad: {  	[dreg:$0x0] =	wrdreg $0x60  }
0xae: {  	[dreg:$0x2] =	wrdreg s24  }
0xaf: {  	[dreg:$0x3] =	wrdreg $0xA0000  }
0xb0: {  	[dreg:$0x4] =	wrdreg $0x9  }
0xb1: {  	_ =	task.clear_ibuf [dreg:s6], $0x5FFFF;
	_ =	strace $0x9000004C  }
0xb2: {  	s29 =	simm.s32 $0x9;
	_ =	strace $0x8000004E  }
0xb3: {  	_ =	swait.ge [sflag:s29], $0x1  }
0xb4: {  	[sflag:s29] =	ssyncadd.s32 $0xFFFFFFFF  }
0xb5: {  	_ =	strace $0x9000004E  }
0xb6: {  	_ =	sfence  }
0xb7: {  	s30 =	sld [smem:$0x0];
	_ =	sdelay $0x2  }
0xb8: {  	s31 =	sshll.u32 s1, $0xD;
	s1 =	sshrl.u32 s1, $0x2  }
0xb9: {  	s3 =	sand.u32 $0x4000, s31;
	s1 =	sadd.s32 s1, s30  }
0xba: {  	s0 =	sor.u32 s3, s0;
	s1 =	sshll.u32 s1, $0x11  }
0xbb: {  	s0 =	sor.u32 s1, s0  }
0xbc: {  	s0 =	sadd.s32 $0x8F2B, s0  }
0xbd: {  	[sflag:s0] =	ssyncadd.remote.s32 $0x1  }
0xbe: {  	_ =	sfence.sel $0xFFFF  }
0xbf: {  	[dreg:$0x0] =	wrdreg $0xFFFFFFFF;
	(pc) =	sbr.abs _section_cstart, $3  }
0xc0: {  	[dreg:$0x1] =	wrdreg $0xFFFFFFFF  }
0xc1: {  	_ =	task.clear_ibuf [dreg:s6], $0x2FFFF;
	_ =	strace $0x9FFFFFFF  }
0xc2: {  	(tm) =	ssettm $0x7FFFFFFF  }
0xc3: {  	_ =	shalt  }
tec
execute0_lowered:
.L_overlay_start_1:
0x0: {  	(tag) =	ssettag $0x1  }
0x1: {  	s6 =	rddreg [dreg:$0x0]  }
0x2: {  	s0 =	srdreg.scid;
	s2 =	rddreg [dreg:$0x1];
	s3 =	simm.s32 $0x0  }
0x3: {  	s14 =	simm.s32 $0x50;
	s15 =	simm.s32 $0x5000;
	s16 =	simm.s32 $0x7800  }
0x4: {  	s17 =	simm.s32 $0x1;
	s18 =	simm.s32 $0x2;
	s19 =	simm.s32 $0x4F60  }
0x5: {  	s20 =	simm.s32 $0x4FB0;
	s5 =	sand.u32 $0x1, s0;
	s0 =	stileid.u32  }
0x6: {  	s21 =	simm.s32 $0x0;
	[smem:$0x7FF] =	sst s3;
	s8 =	smul.u32 $0x14000, s0  }
0x7: {  	s4 =	sadd.s32 $0x4EE00, s6;
	s1 =	sshll.u32 s5, $0x4;
	s9 =	smul.u32 $0x140000, s5  }
0x8: {  	s5 =	ssub.s32 $0x2, s5;
	s12 =	sshll.u32 s0, $0x6;
	s1 =	sor.u32 s0, s1  }
0x9: {  	s11 =	sshrl.u32 s5, $0x1;
	s12 =	sor.u32 $0x1C03, s12;
	s7 =	smul.u32 $0x500, s1  }
0xa: {  	s1 =	rddreg [dreg:$0x2];
	_ =	strace $0x8000004D;
	s10 =	sshrl.u32 s8, $0x3  }
0xb: {  	s9 =	sadd.s32 s8, s9;
	s11 =	ssub.s32 s5, s11;
	s13 =	sadd.s32 s8, s2  }
0xc: {  	s10 =	sadd.s32 s10, s6;
	s9 =	sshrl.u32 s9, $0x3;
	s7 =	sadd.s32 s7, s6  }
0xd: {  	s13 =	sshrl.u32 s13, $0x3;
	s9 =	sadd.s32 s9, s6;
	s5 =	sadd.s32 $0x1CE00, s7  }
0xe: {  	s6 =	sadd.s32 $0x3E00, s7;
	s7 =	sadd.s32 $0x76E00, s10;
	s8 =	sadd.s32 $0x9EE00, s9  }
0xf: {  	s9 =	smax.u32 s11, $0x1;
	s10 =	simm.s32 $0x3;
	s11 =	simm.s32 $0x2800  }
.LBB2_1:
0x10: {  	[tilespmem:s3], [sflag:$0x3] =	stream.linear.gather [hbm4b:s5+s3], $0x2800, $0x38;
	[tilespmem:$0x1E000] =	vst v63  }
0x11: {  	_ =	swait.ge [sflag:s10], $0x2800  }
0x12: {  	[sflag:s10] =	ssyncset.done $0x0  }
0x13: {  	[sflag:s10] =	ssyncadd.s32 $0xFFFFD800  }
0x14: {  	[tilespmem:s11], [sflag:$0x3] =	stream.linear.gather [hbm4b:s6+s3], $0x2800, $0x38;
	[tilespmem:$0x1E000] =	vst v63  }
0x15: {  	_ =	swait.ge [sflag:s10], $0x2800  }
0x16: {  	[sflag:s10] =	ssyncset.done $0x0  }
0x17: {  	[sflag:s10] =	ssyncadd.s32 $0xFFFFD800  }
0x18: {  	[spmem:s13], [sflag:s12] =	dma.local [hbm:s7], $0x2800  }
0x19: {  	_ =	swait.ge [sflag:s10], $0x2800  }
0x1a: {  	[sflag:s10] =	ssyncset.done $0x0  }
0x1b: {  	[sflag:s10] =	ssyncadd.s32 $0xFFFFD800  }
0x1c: {  	[bflag:$0x0] =	sbarrier.arrive $0xFFFF  }
0x1d: {  	[tilespmem:s15], [sflag:$0x1] =	stream.indirect.gather [hbm4b:s4+s14], $0x80, s3, s14, $0xb8;
	[tilespmem:$0x1E000] =	vst v63  }
0x1e: {  	_ = 	snop  }
0x1f: {  	[tilespmem:s16], [sflag:$0x2] =	stream.indirect.gather [hbm4b:s4+s14], $0x80, s14, s14, $0xb8;
	[tilespmem:$0x1E000] =	vst v63  }
0x20: {  	_ =	swait.ge [sflag:s17], $0x2800  }
0x21: {  	[sflag:s17] =	ssyncset.done $0x0  }
0x22: {  	s22 =	simm.s32 $0x2800;
	[sflag:s17] =	ssyncadd.s32 $0xFFFFD800  }
0x23: {  	[spmem:s2] =	stream.indirect.scatter.add.f32 [tilespmem:s15], [sflag:$0x3], $0x80, s22, s14, $0xb8;
	[tilespmem:$0x1E000] =	vst v63  }
0x24: {  	_ =	swait.ge [sflag:s10], $0x2800  }
0x25: {  	[sflag:s10] =	ssyncset.done $0x0  }
0x26: {  	s30 =	simm.s32 $0xA0;
	[sflag:s10] =	ssyncadd.s32 $0xFFFFD800  }
0x27: {  	[tilespmem:s15], [sflag:$0x1] =	stream.indirect.gather [hbm4b:s4+s14], $0x80, s30, s14, $0xb8;
	[tilespmem:$0x1E000] =	vst v63  }
0x28: {  	_ =	swait.ge [sflag:s18], $0x2800  }
0x29: {  	[sflag:s18] =	ssyncset.done $0x0  }
0x2a: {  	s31 =	simm.s32 $0x2850;
	[sflag:s18] =	ssyncadd.s32 $0xFFFFD800  }
0x2b: {  	[spmem:s2] =	stream.indirect.scatter.add.f32 [tilespmem:s16], [sflag:$0x3], $0x80, s31, s14, $0xb8;
	[tilespmem:$0x1E000] =	vst v63  }
0x2c: {  	_ =	swait.ge [sflag:s10], $0x2800  }
0x2d: {  	[sflag:s10] =	ssyncset.done $0x0  }
0x2e: {  	s23 =	simm.s32 $0xF0;
	s22 =	simm.s32 $0x280;
	[sflag:s10] =	ssyncadd.s32 $0xFFFFD800  }
.LBB2_2:
0x2f: {  	[tilespmem:s16], [sflag:$0x2] =	stream.indirect.gather [hbm4b:s4+s14], $0x80, s23, s14, $0xb8;
	[tilespmem:$0x1E000] =	vst v63  }
0x30: {  	s23 =	smov.u32 s22  }
0x31: {  	p0 =	sne.s32 s22, $0x9B00;
	s22 =	sadd.s32 $0x280, s22;
	_ =	swait.ge [sflag:s17], $0x2800  }
0x32: {  	s23 =	sshra.s32 s23, $0x2;
	[sflag:s17] =	ssyncset.done $0x0  }
0x33: {  	s24 =	sadd.s32 $0x2800, s23;
	[sflag:s17] =	ssyncadd.s32 $0xFFFFD800  }
0x34: {  	[spmem:s2] =	stream.indirect.scatter.add.f32 [tilespmem:s15], [sflag:$0x3], $0x80, s24, s14, $0xb8;
	[tilespmem:$0x1E000] =	vst v63  }
0x35: {  	_ =	swait.ge [sflag:s10], $0x2800  }
0x36: {  	[sflag:s10] =	ssyncset.done $0x0  }
0x37: {  	s24 =	sadd.s32 $0xA0, s23;
	[sflag:s10] =	ssyncadd.s32 $0xFFFFD800  }
0x38: {  	[tilespmem:s15], [sflag:$0x1] =	stream.indirect.gather [hbm4b:s4+s14], $0x80, s24, s14, $0xb8;
	[tilespmem:$0x1E000] =	vst v63  }
0x39: {  	_ =	swait.ge [sflag:s18], $0x2800  }
0x3a: {  	[sflag:s18] =	ssyncset.done $0x0  }
.Ltmp0:
0x3b: {  	s24 =	sadd.s32 $0x2850, s23;
	[sflag:s18] =	ssyncadd.s32 $0xFFFFD800;
	(pc) =	sbr.rel @p0 .LBB2_2-.Ltmp0, $4  }
0x3c: {  	[spmem:s2] =	stream.indirect.scatter.add.f32 [tilespmem:s16], [sflag:$0x3], $0x80, s24, s14, $0xb8;
	[tilespmem:$0x1E000] =	vst v63  }
0x3d: {  	_ =	swait.ge [sflag:s10], $0x2800  }
0x3e: {  	[sflag:s10] =	ssyncset.done $0x0  }
0x3f: {  	s23 =	sadd.s32 $0xF0, s23;
	[sflag:s10] =	ssyncadd.s32 $0xFFFFD800  }
0x40: {  	[tilespmem:s16], [sflag:$0x2] =	stream.indirect.gather [hbm4b:s4+s14], $0x80, s23, s14, $0xb8;
	[tilespmem:$0x1E000] =	vst v63  }
0x41: {  	_ =	swait.ge [sflag:s17], $0x2800  }
0x42: {  	[sflag:s17] =	ssyncset.done $0x0  }
0x43: {  	[sflag:s17] =	ssyncadd.s32 $0xFFFFD800  }
0x44: {  	[spmem:s2] =	stream.indirect.scatter.add.f32 [tilespmem:s15], [sflag:$0x3], $0x80, s19, s14, $0xb8;
	[tilespmem:$0x1E000] =	vst v63  }
0x45: {  	_ =	swait.ge [sflag:s10], $0x2800  }
0x46: {  	[sflag:s10] =	ssyncset.done $0x0  }
0x47: {  	[sflag:s10] =	ssyncadd.s32 $0xFFFFD800  }
0x48: {  	_ =	swait.ge [sflag:s18], $0x2800  }
0x49: {  	[sflag:s18] =	ssyncset.done $0x0  }
0x4a: {  	[sflag:s18] =	ssyncadd.s32 $0xFFFFD800  }
0x4b: {  	[spmem:s2] =	stream.indirect.scatter.add.f32 [tilespmem:s16], [sflag:$0x3], $0x80, s20, s14, $0xb8;
	[tilespmem:$0x1E000] =	vst v63  }
0x4c: {  	_ =	swait.ge [sflag:s10], $0x2800  }
0x4d: {  	s21 =	sadd.s32 $0x1, s21;
	[sflag:s10] =	ssyncset.done $0x0  }
0x4e: {  	p0 =	sne.s32 s21, s9;
	[sflag:s10] =	ssyncadd.s32 $0xFFFFD800  }
.Ltmp1:
0x4f: {  	[bflag:$0x0] =	sbarrier.arrive $0xFFFF;
	(pc) =	sbr.rel @p0 .LBB2_1-.Ltmp1, $4  }
0x50: {  	[hbm:s8], [sflag:s12] =	dma.local [spmem:s13], $0x2800  }
0x51: {  	_ =	swait.ge [sflag:s10], $0x2800  }
0x52: {  	[sflag:s10] =	ssyncset.done $0x0  }
0x53: {  	[sflag:s10] =	ssyncadd.s32 $0xFFFFD800  }
0x54: {  	_ =	sfence.sel $0x180000  }
0x55: {  	[bflag:$0x0] =	sbarrier.arrive $0xFFFF  }
0x56: {  	p0 =	sne.s32 s0, $0x0;
	_ =	strace $0x9000004D  }
0x57: {  	s0 =	sadd.s32 @!p0 $0x100000, s1;
	[bflag:$0x2] =	sbarrier.arrive $0xFFFF  }
0x58: {  	[sflag:s0] =	ssyncadd.tile.s32 @!p0 $0x1;
	_ =	shalt  }
.Lfunc_end2:
_tile_overlayer_lowered:
.L_overlay_start_2:
0x59: {  	(tag) =	ssettag $0x2  }
0x5a: {  	s0 =	rddreg [dreg:$0x0];
	s2 =	stileid.u32  }
0x5b: {  	s1 =	rddreg [dreg:$0x1];
	p0 =	sne.s32 s2, $0x0  }
0x5c: {  	s3 =	rddreg [dreg:$0x2];
	[bflag:$0x3] =	sbarrier.arrive $0xFFFF;
	s2 =	simm.s32 @!p0 $0x1C03  }
0x5d: {  	[timem:s3], [sflag:s2] =	dma.local @!p0 [hbm:s0], s1  }
0x5e: {  	s0 =	simm.s32 @!p0 $0x3  }
0x5f: {  	_ =	swait.ge @!p0 [sflag:s0], s1  }
0x60: {  	s1 =	ssub.s32 @!p0 $0x0, s1;
	[sflag:s0] =	ssyncset.done @!p0 $0x0  }
0x61: {  	[sflag:s0] =	ssyncadd.s32 @!p0 s1  }
0x62: {  	[bflag:$0x3] =	sbarrier.arrive $0xFFFF  }
0x63: {  	_ =	shalt  }

// kernel: kernel.19.cloned.1.call-start
scs
__scs_entry_jumppad:
0x0: {  	(pc) =	sbr.rel $0x88, $3  }
0x1: {  	(tag) =	ssettag $0x0;
	lr =	simm.s32 $0x1  }
0x2: {  	[smem:$0x3F94] =	sst lr;
	_ =	strace $0xD0000000  }
0x3: {  	_ = 	snop  }
0x4: {  	_ = 	snop  }
0x5: {  	_ = 	snop  }
0x6: {  	_ = 	snop  }
0x7: {  	_ = 	snop  }
__scs_overlays_trampoline_lowered:
0x8: {  	[smem:$0x3FA3] =	sst s0  }
0x9: {  	[smem:$0x3FA4] =	sst s1  }
0xa: {  	[smem:$0x3FA5] =	sst s2  }
0xb: {  	[smem:$0x3FA6] =	sst s3  }
0xc: {  	[smem:$0x3FA7] =	sst s4  }
0xd: {  	[smem:$0x3FA8] =	sst s5  }
0xe: {  	[smem:$0x3FA9] =	sst s6  }
0xf: {  	[smem:$0x3FAA] =	sst s7  }
0x10: {  	[smem:$0x3FAB] =	sst s8  }
0x11: {  	[smem:$0x3FAC] =	sst s9;
	s0 =	simm.s32 @!p0 $0x0  }
0x12: {  	s1 =	sld [smem:$0x3F92];
	s0 =	simm.s32 @p0 $0x1  }
0x13: {  	[smem:$0x3FAD] =	sst s0;
	s0 =	simm.s32 @!p1 $0x0  }
0x14: {  	s2 =	sld [smem:$0x3F91];
	s0 =	simm.s32 @p1 $0x1  }
0x15: {  	[smem:$0x3FAE] =	sst s0;
	s0 =	simm.s32 @!p2 $0x0  }
0x16: {  	s3 =	sld [smem:$0x3FDB];
	s0 =	simm.s32 @p2 $0x1  }
0x17: {  	s4 =	simm.s32 $0x1BF5;
	[smem:$0x3FB0] =	sst s0  }
0x18: {  	s0 =	sld [smem:$0x3F93];
	_ =	swait.ge [sflag:s4], $0x0  }
0x19: {  	s7 =	sld [smem:$0x3F94]  }
0x1a: {  	s8 =	sadd.s32 $0xFFFFE003, lr  }
0x1b: {  	s9 =	sadd.s32 $0xFFFFFEF7, lr;
	s5 =	simm.s32 $0xFFFFFFFF;
	p2 =	slt.u32 s8, $0xFFFFF086  }
0x1c: {  	p1 =	slt.u32 s9, $0xF7A;
	s5 =	simm.s32 @!p2 $0x0  }
0x1d: {  	s5 =	simm.s32 @p1 $0x1;
	p0 =	seq.s32 s7, s2  }
0x1e: {  	s7 =	smul.u32 @!p0 $0xF7A, s2;
	p2 =	seq.s32 @!p0 s5, $0x0  }
0x1f: {  	s9 =	smul.u32 $0xF7A, s1;
	s8 =	simm.s32 @!p0 $0x1BF5;
	p2 =	por !p2, p0  }
0x20: {  	[sflag:s8] =	ssyncset.s32 @!p0 $0xFFFFF086;
	s6 =	sadd.s32 @!p0 s3, s7;
	s7 =	simm.s32 @!p0 $0x108  }
0x21: {  	s3 =	sadd.s32 s3, s9;
	s6 =	sadd.s32 @!p0 $0x88, s6;
	s7 =	simm.s32 @p2 $0x1082  }
0x22: {  	[simem:s7], [sflag:s8] =	dma.local @!p0 [hbm:s6], $0xF7A  }
0x23: {  	s9 =	sor.u32 $0xD0000000, s2;
	s6 =	simm.s32 $0x108;
	_ =	swait.ge @!p0 [sflag:s8], $0x0  }
0x24: {  	s3 =	sadd.s32 $0x88, s3;
	s6 =	simm.s32 @!p1 $0x1082;
	[sflag:s4] =	ssyncset.s32 $0xFFFFF086  }
0x25: {  	[simem:s6], [sflag:s4] =	dma.local [hbm:s3], $0xF7A  }
0x26: {  	[smem:$0x3F94] =	sst s1;
	(tag) =	ssettag s2;
	_ =	strace s9  }
0x27: {  	s1 =	sld [smem:$0x3FA4]  }
0x28: {  	s2 =	sld [smem:$0x3FA5]  }
0x29: {  	s4 =	sld [smem:$0x3FA7]  }
0x2a: {  	p0 =	seq.s32 s5, $0x0;
	s5 =	sld [smem:$0x3FA8]  }
0x2b: {  	s6 =	sld [smem:$0x3FA9]  }
0x2c: {  	s7 =	sld [smem:$0x3FAA]  }
0x2d: {  	s3 =	simm.s32 $0x108;
	s8 =	sld [smem:$0x3FAB]  }
0x2e: {  	s3 =	simm.s32 @!p0 $0x1082;
	s9 =	sld [smem:$0x3FAC]  }
0x2f: {  	lr =	sadd.s32 s0, s3;
	s0 =	sld [smem:$0x3FA3]  }
0x30: {  	s3 =	sld [smem:$0x3FA6]  }
0x31: {  	[smem:$0x3FAF] =	sst s10  }
0x32: {  	s10 =	sld [smem:$0x3FAD];
	_ =	sdelay $0x3  }
0x33: {  	p0 =	seq.s32 s10, $0x1;
	s10 =	sld [smem:$0x3FAF];
	_ =	sdelay $0x3  }
0x34: {  	[smem:$0x3FAF] =	sst s10  }
0x35: {  	s10 =	sld [smem:$0x3FAE];
	_ =	sdelay $0x3  }
0x36: {  	p1 =	seq.s32 s10, $0x1;
	s10 =	sld [smem:$0x3FAF];
	_ =	sdelay $0x3  }
0x37: {  	[smem:$0x3FAF] =	sst s10  }
0x38: {  	s10 =	sld [smem:$0x3FB0]  }
0x39: {  	_ = 	snop;
	(pc) =	sbr.ind lr, $3  }
0x3a: {  	_ = 	snop  }
0x3b: {  	_ = 	snop  }
0x3c: {  	p2 =	seq.s32 s10, $0x1;
	s10 =	sld [smem:$0x3FAF]  }
0x3d: {  	_ =	shalt  }
0x3e: {  	_ =	shalt  }
0x3f: {  	_ =	shalt  }
0x40: {  	_ =	shalt  }
0x41: {  	_ =	shalt  }
0x42: {  	_ =	shalt  }
0x43: {  	_ =	shalt  }
0x44: {  	_ =	shalt  }
0x45: {  	_ =	shalt  }
0x46: {  	_ =	shalt  }
0x47: {  	_ =	shalt  }
0x48: {  	_ =	shalt  }
0x49: {  	_ =	shalt  }
0x4a: {  	_ =	shalt  }
0x4b: {  	_ =	shalt  }
0x4c: {  	_ =	shalt  }
0x4d: {  	_ =	shalt  }
0x4e: {  	_ =	shalt  }
0x4f: {  	_ =	shalt  }
0x50: {  	_ =	shalt  }
0x51: {  	_ =	shalt  }
0x52: {  	_ =	shalt  }
0x53: {  	_ =	shalt  }
0x54: {  	_ =	shalt  }
0x55: {  	_ =	shalt  }
0x56: {  	_ =	shalt  }
0x57: {  	_ =	shalt  }
0x58: {  	_ =	shalt  }
0x59: {  	_ =	shalt  }
0x5a: {  	_ =	shalt  }
0x5b: {  	_ =	shalt  }
0x5c: {  	_ =	shalt  }
0x5d: {  	_ =	shalt  }
0x5e: {  	_ =	shalt  }
0x5f: {  	_ =	shalt  }
0x60: {  	_ =	shalt  }
0x61: {  	_ =	shalt  }
0x62: {  	_ =	shalt  }
0x63: {  	_ =	shalt  }
0x64: {  	_ =	shalt  }
0x65: {  	_ =	shalt  }
0x66: {  	_ =	shalt  }
0x67: {  	_ =	shalt  }
0x68: {  	_ =	shalt  }
0x69: {  	_ =	shalt  }
0x6a: {  	_ =	shalt  }
0x6b: {  	_ =	shalt  }
0x6c: {  	_ =	shalt  }
0x6d: {  	_ =	shalt  }
0x6e: {  	_ =	shalt  }
0x6f: {  	_ =	shalt  }
0x70: {  	_ =	shalt  }
0x71: {  	_ =	shalt  }
0x72: {  	_ =	shalt  }
0x73: {  	_ =	shalt  }
0x74: {  	_ =	shalt  }
0x75: {  	_ =	shalt  }
0x76: {  	_ =	shalt  }
0x77: {  	_ =	shalt  }
0x78: {  	_ =	shalt  }
0x79: {  	_ =	shalt  }
0x7a: {  	_ =	shalt  }
0x7b: {  	_ =	shalt  }
0x7c: {  	_ =	shalt  }
0x7d: {  	_ =	shalt  }
0x7e: {  	_ =	shalt  }
0x7f: {  	_ =	shalt  }
0x80: {  	_ =	shalt  }
0x81: {  	_ =	shalt  }
0x82: {  	_ =	shalt  }
0x83: {  	_ =	shalt  }
0x84: {  	_ =	shalt  }
0x85: {  	_ =	shalt  }
0x86: {  	_ =	shalt  }
0x87: {  	_ =	shalt  }
.Lfunc_end0:
.L_simem_size_0:
called_computation.3_lowered:
.L_overlay_start_0:
0x88: {  	s2 =	sld [smem:$0x3FD9]  }
0x89: {  	s3 =	sld [smem:$0x3FFE];
	_ =	sdelay $0x1  }
0x8a: {  	s1 =	srdreg.scid  }
0x8b: {  	s0 =	sand.u32 $0x1, s1  }
0x8c: {  	s16 =	sshll.u32 s0, $0xA;
	s2 =	sadd.s32 s3, s2  }
0x8d: {  	s2 =	sadd.s32 s2, s16  }
0x8e: {  	[smem:$0x3FBB] =	sst s2  }
0x8f: {  	_ = 	snop  }
0x90: {  	(tm) =	ssettm $0x1  }
0x91: {  	s17 =	sld [smem:$0x3FFB];
	_ =	sdelay $0x3  }
0x92: {  	_ =	strace s17  }
0x93: {  	s2 =	sld [smem:$0x3FFC];
	_ =	sdelay $0x3  }
0x94: {  	_ =	strace s2  }
0x95: {  	s2 =	sld [smem:$0x3FFD];
	_ =	sdelay $0x3  }
0x96: {  	_ =	strace s2  }
0x97: {  	_ =	strace $0x8FFFFFFF  }
0x98: {  	s18 =	sld [smem:$0x3FDB];
	_ =	sdelay $0x1  }
0x99: {  	s19 =	simm.s32 $_scs_section_size  }
0x9a: {  	s4 =	simm.s32 $_size__tile_overlayer_lowered;
	s5 =	simm.s32 $_tile_overlayer_lowered  }
0x9b: {  	s22 =	simm.s32 $0x1BFF;
	s21 =	sshll.u32 s5, $0x1;
	s2 =	sadd.s32 s19, s18  }
0x9c: {  	s6 =	simm.s32 $0x0;
	s20 =	sshll.u32 s4, $0x1;
	s4 =	sadd.s32 s21, s2  }
0x9d: {  	[timem:s6], [sflag:s22] =	dma.local [hbm:s4], s20  }
0x9e: {  	_ =	swait.ge [sflag:s22], s20  }
0x9f: {  	s3 =	ssub.s32 $0x0, s20;
	[sflag:s22] =	ssyncset.done $0x0  }
0xa0: {  	[sflag:s22] =	ssyncadd.s32 s3;
	_ =	sdelay $0x1  }
0xa1: {  	s23 =	simm.s32 $0x1B8B  }
0xa2: {  	_ =	swait.ge [sflag:s23], $0x1  }
0xa3: {  	[sflag:s23] =	ssyncset.done $0x0  }
0xa4: {  	s25 =	simm.s32 $0x1B8E;
	s24 =	sld [smem:$0x3FFE];
	[sflag:s23] =	ssyncadd.s32 $0xFFFFFFFF  }
0xa5: {  	s26 =	simm.s32 $execute0_lowered;
	[smem:$0x3FD2] =	sst s25  }
0xa6: {  	s4 =	sshll.u32 s26, $0x1;
	_ =	strace $0x8000004F;
	[dreg:$0x1] =	wrdreg $0xFFFFFFFF  }
0xa7: {  	s28 =	simm.s32 $_size_execute0_lowered;
	s2 =	sadd.s32 s2, s4;
	[dreg:$0x0] =	wrdreg $0x0  }
0xa8: {  	s4 =	sshll.u32 s28, $0x1;
	[dreg:$0x2] =	wrdreg s2  }
0xa9: {  	[dreg:$0x3] =	wrdreg s4  }
0xaa: {  	[dreg:$0x4] =	wrdreg $0xC0  }
0xab: {  	_ =	task [dreg:s6], $0x5FFFF  }
0xac: {  	[dreg:$0x1] =	wrdreg $0xFFFFFFFF  }
0xad: {  	[dreg:$0x0] =	wrdreg $0x60  }
0xae: {  	[dreg:$0x2] =	wrdreg s24  }
0xaf: {  	[dreg:$0x3] =	wrdreg $0x60000  }
0xb0: {  	[dreg:$0x4] =	wrdreg $0x9  }
0xb1: {  	_ =	task.clear_ibuf [dreg:s6], $0x5FFFF;
	_ =	strace $0x9000004F  }
0xb2: {  	s29 =	simm.s32 $0x9;
	_ =	strace $0x80000051  }
0xb3: {  	_ =	swait.ge [sflag:s29], $0x1  }
0xb4: {  	[sflag:s29] =	ssyncadd.s32 $0xFFFFFFFF  }
0xb5: {  	_ =	strace $0x90000051  }
0xb6: {  	_ =	sfence  }
0xb7: {  	s30 =	sld [smem:$0x0];
	_ =	sdelay $0x2  }
0xb8: {  	s31 =	sshll.u32 s1, $0xD;
	s1 =	sshrl.u32 s1, $0x2  }
0xb9: {  	s3 =	sand.u32 $0x4000, s31;
	s1 =	sadd.s32 s1, s30  }
0xba: {  	s0 =	sor.u32 s3, s0;
	s1 =	sshll.u32 s1, $0x11  }
0xbb: {  	s0 =	sor.u32 s1, s0  }
0xbc: {  	s0 =	sadd.s32 $0x8F2B, s0  }
0xbd: {  	[sflag:s0] =	ssyncadd.remote.s32 $0x1  }
0xbe: {  	_ =	sfence.sel $0xFFFF  }
0xbf: {  	[dreg:$0x0] =	wrdreg $0xFFFFFFFF;
	(pc) =	sbr.abs _section_cstart, $3  }
0xc0: {  	[dreg:$0x1] =	wrdreg $0xFFFFFFFF  }
0xc1: {  	_ =	task.clear_ibuf [dreg:s6], $0x2FFFF;
	_ =	strace $0x9FFFFFFF  }
0xc2: {  	(tm) =	ssettm $0x7FFFFFFF  }
0xc3: {  	_ =	shalt  }
tec
execute0_lowered:
.L_overlay_start_1:
0x0: {  	(tag) =	ssettag $0x1  }
0x1: {  	s6 =	rddreg [dreg:$0x0]  }
0x2: {  	s0 =	srdreg.scid;
	s2 =	rddreg [dreg:$0x1];
	s3 =	simm.s32 $0x0  }
0x3: {  	s14 =	simm.s32 $0x80;
	s15 =	simm.s32 $0x5000;
	s16 =	simm.s32 $0x5800  }
0x4: {  	s17 =	simm.s32 $0x1;
	s18 =	simm.s32 $0x2;
	s19 =	simm.s32 $0x4F00  }
0x5: {  	s20 =	simm.s32 $0x4F80;
	s5 =	sand.u32 $0x1, s0;
	s0 =	stileid.u32  }
0x6: {  	s21 =	simm.s32 $0x0;
	[smem:$0x7FF] =	sst s3;
	s8 =	smul.u32 $0x2800, s0  }
0x7: {  	s4 =	sadd.s32 $0x12E00, s6;
	s1 =	sshll.u32 s5, $0x4;
	s9 =	smul.u32 $0x28000, s5  }
0x8: {  	s5 =	ssub.s32 $0x2, s5;
	s12 =	sshll.u32 s0, $0x6;
	s1 =	sor.u32 s0, s1  }
0x9: {  	s11 =	sshrl.u32 s5, $0x1;
	s12 =	sor.u32 $0x1C03, s12;
	s7 =	smul.u32 $0x500, s1  }
0xa: {  	s1 =	rddreg [dreg:$0x2];
	_ =	strace $0x80000050;
	s10 =	sshrl.u32 s8, $0x3  }
0xb: {  	s9 =	sadd.s32 s8, s9;
	s11 =	ssub.s32 s5, s11;
	s13 =	sadd.s32 s8, s2  }
0xc: {  	s10 =	sadd.s32 s10, s6;
	s9 =	sshrl.u32 s9, $0x3;
	s7 =	sadd.s32 s7, s6  }
0xd: {  	s13 =	sshrl.u32 s13, $0x3;
	s9 =	sadd.s32 s9, s6;
	s5 =	sadd.s32 $0x1CE00, s7  }
0xe: {  	s6 =	sadd.s32 $0x3E00, s7;
	s7 =	sadd.s32 $0xDE00, s10;
	s8 =	sadd.s32 $0x4EE00, s9  }
0xf: {  	s9 =	smax.u32 s11, $0x1;
	s10 =	simm.s32 $0x3;
	s11 =	simm.s32 $0x2800  }
.LBB2_1:
0x10: {  	[tilespmem:s3], [sflag:$0x3] =	stream.linear.gather [hbm4b:s5+s3], $0x2800, $0x38;
	[tilespmem:$0x8800] =	vst v63  }
0x11: {  	_ =	swait.ge [sflag:s10], $0x2800  }
0x12: {  	[sflag:s10] =	ssyncset.done $0x0  }
0x13: {  	[sflag:s10] =	ssyncadd.s32 $0xFFFFD800  }
0x14: {  	[tilespmem:s11], [sflag:$0x3] =	stream.linear.gather [hbm4b:s6+s3], $0x2800, $0x38;
	[tilespmem:$0x8800] =	vst v63  }
0x15: {  	_ =	swait.ge [sflag:s10], $0x2800  }
0x16: {  	[sflag:s10] =	ssyncset.done $0x0  }
0x17: {  	[sflag:s10] =	ssyncadd.s32 $0xFFFFD800  }
0x18: {  	[spmem:s13], [sflag:s12] =	dma.local [hbm:s7], $0x500  }
0x19: {  	_ =	swait.ge [sflag:s10], $0x500  }
0x1a: {  	[sflag:s10] =	ssyncset.done $0x0  }
0x1b: {  	[sflag:s10] =	ssyncadd.s32 $0xFFFFFB00  }
0x1c: {  	[bflag:$0x0] =	sbarrier.arrive $0xFFFF  }
0x1d: {  	[tilespmem:s15], [sflag:$0x1] =	stream.indirect.gather [hbm4b:s4+s14], $0x10, s3, s14, $0xb8;
	[tilespmem:$0x8800] =	vst v63  }
0x1e: {  	_ = 	snop  }
0x1f: {  	[tilespmem:s16], [sflag:$0x2] =	stream.indirect.gather [hbm4b:s4+s14], $0x10, s14, s14, $0xb8;
	[tilespmem:$0x8800] =	vst v63  }
0x20: {  	_ =	swait.ge [sflag:s17], $0x800  }
0x21: {  	[sflag:s17] =	ssyncset.done $0x0  }
0x22: {  	s22 =	simm.s32 $0x2800;
	[sflag:s17] =	ssyncadd.s32 $0xFFFFF800  }
0x23: {  	[spmem:s2] =	stream.indirect.scatter.add.f32 [tilespmem:s15], [sflag:$0x3], $0x10, s22, s14, $0xb8;
	[tilespmem:$0x8800] =	vst v63  }
0x24: {  	_ =	swait.ge [sflag:s10], $0x800  }
0x25: {  	[sflag:s10] =	ssyncset.done $0x0  }
0x26: {  	s30 =	simm.s32 $0x100;
	[sflag:s10] =	ssyncadd.s32 $0xFFFFF800  }
0x27: {  	[tilespmem:s15], [sflag:$0x1] =	stream.indirect.gather [hbm4b:s4+s14], $0x10, s30, s14, $0xb8;
	[tilespmem:$0x8800] =	vst v63  }
0x28: {  	_ =	swait.ge [sflag:s18], $0x800  }
0x29: {  	[sflag:s18] =	ssyncset.done $0x0  }
0x2a: {  	s31 =	simm.s32 $0x2880;
	[sflag:s18] =	ssyncadd.s32 $0xFFFFF800  }
0x2b: {  	[spmem:s2] =	stream.indirect.scatter.add.f32 [tilespmem:s16], [sflag:$0x3], $0x10, s31, s14, $0xb8;
	[tilespmem:$0x8800] =	vst v63  }
0x2c: {  	_ =	swait.ge [sflag:s10], $0x800  }
0x2d: {  	[sflag:s10] =	ssyncset.done $0x0  }
0x2e: {  	s23 =	simm.s32 $0x180;
	s22 =	simm.s32 $0x400;
	[sflag:s10] =	ssyncadd.s32 $0xFFFFF800  }
.LBB2_2:
0x2f: {  	[tilespmem:s16], [sflag:$0x2] =	stream.indirect.gather [hbm4b:s4+s14], $0x10, s23, s14, $0xb8;
	[tilespmem:$0x8800] =	vst v63  }
0x30: {  	s23 =	smov.u32 s22  }
0x31: {  	p0 =	sne.s32 s22, $0x9800;
	s22 =	sadd.s32 $0x400, s22;
	_ =	swait.ge [sflag:s17], $0x800  }
0x32: {  	s23 =	sshra.s32 s23, $0x2;
	[sflag:s17] =	ssyncset.done $0x0  }
0x33: {  	s24 =	sadd.s32 $0x2800, s23;
	[sflag:s17] =	ssyncadd.s32 $0xFFFFF800  }
0x34: {  	[spmem:s2] =	stream.indirect.scatter.add.f32 [tilespmem:s15], [sflag:$0x3], $0x10, s24, s14, $0xb8;
	[tilespmem:$0x8800] =	vst v63  }
0x35: {  	_ =	swait.ge [sflag:s10], $0x800  }
0x36: {  	[sflag:s10] =	ssyncset.done $0x0  }
0x37: {  	s24 =	sadd.s32 $0x100, s23;
	[sflag:s10] =	ssyncadd.s32 $0xFFFFF800  }
0x38: {  	[tilespmem:s15], [sflag:$0x1] =	stream.indirect.gather [hbm4b:s4+s14], $0x10, s24, s14, $0xb8;
	[tilespmem:$0x8800] =	vst v63  }
0x39: {  	_ =	swait.ge [sflag:s18], $0x800  }
0x3a: {  	[sflag:s18] =	ssyncset.done $0x0  }
.Ltmp0:
0x3b: {  	s24 =	sadd.s32 $0x2880, s23;
	[sflag:s18] =	ssyncadd.s32 $0xFFFFF800;
	(pc) =	sbr.rel @p0 .LBB2_2-.Ltmp0, $4  }
0x3c: {  	[spmem:s2] =	stream.indirect.scatter.add.f32 [tilespmem:s16], [sflag:$0x3], $0x10, s24, s14, $0xb8;
	[tilespmem:$0x8800] =	vst v63  }
0x3d: {  	_ =	swait.ge [sflag:s10], $0x800  }
0x3e: {  	[sflag:s10] =	ssyncset.done $0x0  }
0x3f: {  	s23 =	sadd.s32 $0x180, s23;
	[sflag:s10] =	ssyncadd.s32 $0xFFFFF800  }
0x40: {  	[tilespmem:s16], [sflag:$0x2] =	stream.indirect.gather [hbm4b:s4+s14], $0x10, s23, s14, $0xb8;
	[tilespmem:$0x8800] =	vst v63  }
0x41: {  	_ =	swait.ge [sflag:s17], $0x800  }
0x42: {  	[sflag:s17] =	ssyncset.done $0x0  }
0x43: {  	[sflag:s17] =	ssyncadd.s32 $0xFFFFF800  }
0x44: {  	[spmem:s2] =	stream.indirect.scatter.add.f32 [tilespmem:s15], [sflag:$0x3], $0x10, s19, s14, $0xb8;
	[tilespmem:$0x8800] =	vst v63  }
0x45: {  	_ =	swait.ge [sflag:s10], $0x800  }
0x46: {  	[sflag:s10] =	ssyncset.done $0x0  }
0x47: {  	[sflag:s10] =	ssyncadd.s32 $0xFFFFF800  }
0x48: {  	_ =	swait.ge [sflag:s18], $0x800  }
0x49: {  	[sflag:s18] =	ssyncset.done $0x0  }
0x4a: {  	[sflag:s18] =	ssyncadd.s32 $0xFFFFF800  }
0x4b: {  	[spmem:s2] =	stream.indirect.scatter.add.f32 [tilespmem:s16], [sflag:$0x3], $0x10, s20, s14, $0xb8;
	[tilespmem:$0x8800] =	vst v63  }
0x4c: {  	_ =	swait.ge [sflag:s10], $0x800  }
0x4d: {  	s21 =	sadd.s32 $0x1, s21;
	[sflag:s10] =	ssyncset.done $0x0  }
0x4e: {  	p0 =	sne.s32 s21, s9;
	[sflag:s10] =	ssyncadd.s32 $0xFFFFF800  }
.Ltmp1:
0x4f: {  	[bflag:$0x0] =	sbarrier.arrive $0xFFFF;
	(pc) =	sbr.rel @p0 .LBB2_1-.Ltmp1, $4  }
0x50: {  	[hbm:s8], [sflag:s12] =	dma.local [spmem:s13], $0x500  }
0x51: {  	_ =	swait.ge [sflag:s10], $0x500  }
0x52: {  	[sflag:s10] =	ssyncset.done $0x0  }
0x53: {  	[sflag:s10] =	ssyncadd.s32 $0xFFFFFB00  }
0x54: {  	_ =	sfence.sel $0x180000  }
0x55: {  	[bflag:$0x0] =	sbarrier.arrive $0xFFFF  }
0x56: {  	p0 =	sne.s32 s0, $0x0;
	_ =	strace $0x90000050  }
0x57: {  	s0 =	sadd.s32 @!p0 $0x100000, s1;
	[bflag:$0x2] =	sbarrier.arrive $0xFFFF  }
0x58: {  	[sflag:s0] =	ssyncadd.tile.s32 @!p0 $0x1;
	_ =	shalt  }
.Lfunc_end2:
_tile_overlayer_lowered:
.L_overlay_start_2:
0x59: {  	(tag) =	ssettag $0x2  }
0x5a: {  	s0 =	rddreg [dreg:$0x0];
	s2 =	stileid.u32  }
0x5b: {  	s1 =	rddreg [dreg:$0x1];
	p0 =	sne.s32 s2, $0x0  }
0x5c: {  	s3 =	rddreg [dreg:$0x2];
	[bflag:$0x3] =	sbarrier.arrive $0xFFFF;
	s2 =	simm.s32 @!p0 $0x1C03  }
0x5d: {  	[timem:s3], [sflag:s2] =	dma.local @!p0 [hbm:s0], s1  }
0x5e: {  	s0 =	simm.s32 @!p0 $0x3  }
0x5f: {  	_ =	swait.ge @!p0 [sflag:s0], s1  }
0x60: {  	s1 =	ssub.s32 @!p0 $0x0, s1;
	[sflag:s0] =	ssyncset.done @!p0 $0x0  }
0x61: {  	[sflag:s0] =	ssyncadd.s32 @!p0 s1  }
0x62: {  	[bflag:$0x3] =	sbarrier.arrive $0xFFFF  }
0x63: {  	_ =	shalt  }

</sc_bundles>
